<compile_context>
chip_gen: v7x
topology: tpu7x:2x2x1
jax: 0.10.2.dev20260603
libtpu: 0.0.44.dev20260713+nightly
codegen_flags: <defaults>
</compile_context>

<pallas_src>
import functools

import jax
import jax.numpy as jnp
from jax import lax
from jax.experimental import pallas as pl
from jax.experimental.pallas import tpu as pltpu
from jax.experimental.pallas import tpu_sc as plsc

N = 10000
E = 320000
D = 128
NC, NS, L = 2, 16, 16
CH = 128
HALF = 40
CA = 120
CB = 40
ROWS_A = NS * CA
TOT_ROWS = NS * (CA + CB)
EPAD = TOT_ROWS * CH
NPAD = 10240
ROWS_PER_SUB = NPAD // NS

_MESH = plsc.VectorSubcoreMesh(core_axis_name="c", subcore_axis_name="s")


def _my_rows(c, s):
    base = jnp.where(c == 0, s * CA, ROWS_A + s * CB)
    pieces = jnp.where(c == 0, CA // HALF, CB // HALF)
    return base, pieces


@functools.partial(
    pl.kernel,
    out_type=jax.ShapeDtypeStruct((NC, NPAD), jnp.float32),
    mesh=_MESH,
    scratch_types=[
        pltpu.VMEM((HALF, CH), jnp.int32),
        pltpu.VMEM((CH,), jnp.float32),
        pltpu.VMEM((ROWS_PER_SUB,), jnp.float32),
        pltpu.VMEM_SHARED((NPAD,), jnp.float32),
    ],
)
def _deg_kernel(dst_hbm, deg_hbm, idx_v, ones_v, zer_v, acc_sh):
    c = lax.axis_index("c")
    s = lax.axis_index("s")
    base, pieces = _my_rows(c, s)

    for i in range(CH // L):
        ones_v[pl.ds(i * L, L)] = jnp.ones((L,), jnp.float32)
    for i in range(ROWS_PER_SUB // L):
        zer_v[pl.ds(i * L, L)] = jnp.zeros((L,), jnp.float32)

    pltpu.sync_copy(zer_v, acc_sh.at[pl.ds(s * ROWS_PER_SUB, ROWS_PER_SUB)])
    plsc.subcore_barrier()

    def piece(h, carry):
        pltpu.sync_copy(dst_hbm.at[pl.ds(base + h * HALF, HALF)], idx_v)

        def body(j, cc):
            pltpu.sync_copy(ones_v, acc_sh.at[idx_v.at[j]], add=True)
            return cc

        return lax.fori_loop(0, HALF, body, carry)

    lax.fori_loop(0, pieces, piece, 0)
    plsc.subcore_barrier()

    pltpu.sync_copy(
        acc_sh.at[pl.ds(s * ROWS_PER_SUB, ROWS_PER_SUB)],
        deg_hbm.at[c, pl.ds(s * ROWS_PER_SUB, ROWS_PER_SUB)],
    )


@functools.partial(
    pl.kernel,
    out_type=jax.ShapeDtypeStruct((NC, NPAD, D), jnp.float32),
    mesh=_MESH,
    scratch_types=[
        pltpu.VMEM((HALF, CH), jnp.int32),
        pltpu.VMEM((HALF, CH), jnp.int32),
        pltpu.VMEM((2 * CH, D), jnp.float32),
        pltpu.VMEM_SHARED((NPAD, D), jnp.float32),
        pltpu.SemaphoreType.DMA,
        pltpu.SemaphoreType.DMA,
    ],
)
def _agg_kernel(g_hbm, src_hbm, dst_hbm, out_hbm,
                sidx_v, didx_v, rows_v, acc_sh, sem0, sem1):
    c = lax.axis_index("c")
    s = lax.axis_index("s")
    base, pieces = _my_rows(c, s)

    def zbody(k, carry):
        i = k // (D // L)
        j = k % (D // L)
        rows_v[i, pl.ds(j * L, L)] = jnp.zeros((L,), jnp.float32)
        return carry

    lax.fori_loop(0, 2 * CH * (D // L), zbody, 0)
    abase = s * ROWS_PER_SUB
    for i in range(ROWS_PER_SUB // (2 * CH)):
        pltpu.sync_copy(rows_v, acc_sh.at[pl.ds(abase + i * 2 * CH, 2 * CH)])
    rem = ROWS_PER_SUB % (2 * CH)
    if rem:
        pltpu.sync_copy(rows_v.at[pl.ds(0, rem)],
                        acc_sh.at[pl.ds(abase + ROWS_PER_SUB - rem, rem)])
    plsc.subcore_barrier()

    slot0 = rows_v.at[pl.ds(0, CH)]
    slot1 = rows_v.at[pl.ds(CH, CH)]

    def gstart(j, slot, sem):
        pltpu.async_copy(g_hbm.at[sidx_v.at[j]], slot, sem)

    def gwait(j, slot, sem):
        pltpu.make_async_copy(g_hbm.at[sidx_v.at[j]], slot, sem).wait()

    def piece(h, carry):
        pltpu.sync_copy(src_hbm.at[pl.ds(base + h * HALF, HALF)], sidx_v)
        pltpu.sync_copy(dst_hbm.at[pl.ds(base + h * HALF, HALF)], didx_v)
        gstart(0, slot0, sem0)

        def body(i, cc):
            j0 = 2 * i
            j1 = j0 + 1
            gstart(j1, slot1, sem1)
            gwait(j0, slot0, sem0)
            pltpu.sync_copy(slot0, acc_sh.at[didx_v.at[j0]], add=True)
            gstart(lax.rem(j0 + 2, HALF), slot0, sem0)
            gwait(j1, slot1, sem1)
            pltpu.sync_copy(slot1, acc_sh.at[didx_v.at[j1]], add=True)
            return cc

        carry = lax.fori_loop(0, HALF // 2, body, carry)
        gwait(0, slot0, sem0)
        return carry

    lax.fori_loop(0, pieces, piece, 0)
    plsc.subcore_barrier()

    for i in range(ROWS_PER_SUB // 128):
        pltpu.sync_copy(acc_sh.at[pl.ds(abase + i * 128, 128)],
                        out_hbm.at[c, pl.ds(abase + i * 128, 128)])


_BLK = 1024


def _mm_body(deg_ref, x_ref, w_ref, g_ref):
    i = pl.program_id(0)
    deg = deg_ref[0, pl.ds(i * _BLK, _BLK)] + deg_ref[1, pl.ds(i * _BLK, _BLK)]
    dblk = jnp.where(deg > 0, lax.rsqrt(deg), 0.0)
    h = lax.dot_general(x_ref[...], w_ref[...], (((1,), (1,)), ((), ())),
                        preferred_element_type=jnp.float32)
    g_ref[...] = h * dblk[:, None]


def _fin_body(deg_ref, acc_ref, b_ref, o_ref):
    i = pl.program_id(0)
    deg = deg_ref[0, pl.ds(i * _BLK, _BLK)] + deg_ref[1, pl.ds(i * _BLK, _BLK)]
    dblk = jnp.where(deg > 0, lax.rsqrt(deg), 0.0)
    a = acc_ref[0] + acc_ref[1]
    o_ref[...] = jnp.maximum(a * dblk[:, None] + b_ref[0][None, :], 0.0)


def kernel(x, edge_index, W, b):
    src = edge_index[0].astype(jnp.int32)
    dst = edge_index[1].astype(jnp.int32)
    pad = EPAD - E
    src_p = jnp.concatenate(
        [src, jnp.zeros((pad,), jnp.int32)]).reshape(TOT_ROWS, CH)
    dst_p = jnp.concatenate(
        [dst, jnp.full((pad,), NPAD - 1, jnp.int32)]).reshape(TOT_ROWS, CH)

    degp = _deg_kernel(dst_p)

    grid = (N + _BLK - 1) // _BLK
    g = pl.pallas_call(
        _mm_body,
        grid=(grid,),
        in_specs=[
            pl.BlockSpec((NC, NPAD), lambda i: (0, 0)),
            pl.BlockSpec((_BLK, D), lambda i: (i, 0)),
            pl.BlockSpec((D, D), lambda i: (0, 0)),
        ],
        out_specs=pl.BlockSpec((_BLK, D), lambda i: (i, 0)),
        out_shape=jax.ShapeDtypeStruct((N, D), jnp.float32),
    )(degp, x, W)

    accp = _agg_kernel(g, src_p, dst_p)

    out = pl.pallas_call(
        _fin_body,
        grid=(grid,),
        in_specs=[
            pl.BlockSpec((NC, NPAD), lambda i: (0, 0)),
            pl.BlockSpec((NC, _BLK, D), lambda i: (0, i, 0)),
            pl.BlockSpec((1, D), lambda i: (0, 0)),
        ],
        out_specs=pl.BlockSpec((_BLK, D), lambda i: (i, 0)),
        out_shape=jax.ShapeDtypeStruct((N, D), jnp.float32),
    )(degp, accp, b.reshape(1, D))
    return out

# --- scband reference (transcript-rebuilt; emitter-appended) ---
"""Pipeline reference for scband-gcn-block-72679436583010 (READ-ONLY COPY).

The authoritative reference and input builder live on the scoring server;
editing this copy changes nothing except your own understanding.
"""

import jax, jax.numpy as jnp
import numpy as np

N_NODES = 10000
N_EDGES = 320000
D_IN = 128
D_OUT = 128


def setup_inputs(seed: int = 0) -> dict:
    key = jax.random.key(seed)
    k1, k2, k3, k4 = jax.random.split(key, 4)
    x = jax.random.normal(k1, (N_NODES, D_IN), dtype=jnp.float32)
    edge_index = jax.random.randint(k2, (2, N_EDGES), 0, N_NODES, dtype=jnp.int64)
    # GCNConv linear weight (PyG Linear: [out_channels, in_channels], bias separate)
    lim = 1.0 / np.sqrt(D_IN)
    W = jax.random.uniform(k3, (D_OUT, D_IN), minval=-lim, maxval=lim, dtype=jnp.float32)
    b = jnp.zeros((D_OUT,), dtype=jnp.float32)
    return {"x": x, "edge_index": edge_index, "W": W, "b": b}


def reference(x, edge_index, W, b):
    # GCNConv(add_self_loops=False) + ReLU (dropout is identity in eval mode)
    N = x.shape[0]
    src = edge_index[0]
    dst = edge_index[1]
    # gcn_norm with edge_weight = 1, no self loops: deg over destination nodes
    ones = jnp.ones((edge_index.shape[1],), dtype=x.dtype)
    deg = jax.ops.segment_sum(ones, dst, num_segments=N)
    deg_inv_sqrt = jnp.where(deg > 0, deg ** -0.5, 0.0)
    norm = deg_inv_sqrt[src] * deg_inv_sqrt[dst]
    # linear transform
    h = x @ W.T
    # message = norm * h[src]; aggregate sum at dst
    msg = h[src] * norm[:, None]
    out = jnp.zeros((N, h.shape[1]), dtype=h.dtype).at[dst].add(msg)
    out = out + b
    # final: ReLU + Dropout(eval) -> ReLU only
    return jax.nn.relu(out)

if __name__ == "__main__":
    import jax
    _d = setup_inputs()
    print(jax.jit(kernel)(*tuple(_d.values())))

</pallas_src>

<mosaic_0001>
#map = affine_map<(d0, d1) -> (0, 0)>
#map1 = affine_map<(d0, d1) -> (0, 0, 0)>
module attributes {stable_mosaic.version = 14 : i64} {
  func.func @_agg_kernel(%arg0: i32, %arg1: i32, %arg2: memref<10000x128xf32, #tpu.memory_space<hbm>>, %arg3: memref<2560x128xi32, #tpu.memory_space<hbm>>, %arg4: memref<2560x128xi32, #tpu.memory_space<hbm>>, %arg5: memref<2x10240x128xf32, #tpu.memory_space<hbm>>, %arg6: memref<40x128xi32, #tpu.memory_space<vmem>>, %arg7: memref<40x128xi32, #tpu.memory_space<vmem>>, %arg8: memref<256x128xf32, #tpu.memory_space<vmem>>, %arg9: memref<10240x128xf32, #tpu.memory_space<vmem_shared>>, %arg10: memref<!tpu.dma_semaphore, #tpu.memory_space<semaphore_mem>>, %arg11: memref<!tpu.dma_semaphore, #tpu.memory_space<semaphore_mem>>) attributes {dimension_semantics = [#tpu.dimension_semantics<core_parallel>, #tpu.dimension_semantics<subcore_parallel>], iteration_bounds = array<i64: 2, 16>, scalar_prefetch = 0 : i64, scratch_operands = 6 : i64, tpu.core_type = #tpu.core_type<sc_vector_subcore>, window_params = [{transform_indices = #map}, {transform_indices = #map}, {transform_indices = #map}, {transform_indices = #map1}]} {
    %eq3A = arith.constant 0 : i32
    %eq3A_0 = arith.cmpi eq, %arg0, %eq3A : i32
    %mul3A = arith.constant 120 : i32
    %mul3A_1 = arith.muli %arg1, %mul3A : i32
    %mul3A_2 = arith.constant 40 : i32
    %mul3A_3 = arith.muli %arg1, %mul3A_2 : i32
    %add3A = arith.constant 1920 : i32
    %add3A_4 = arith.addi %add3A, %mul3A_3 : i32
    %select_n3A = arith.select %eq3A_0, %mul3A_1, %add3A_4 : i32
    %eq3A_5 = arith.constant 0 : i32
    %eq3A_6 = arith.cmpi eq, %arg0, %eq3A_5 : i32
    %jit3A = arith.constant 3 : i32
    %jit3A_7 = arith.constant 1 : i32
    %select_n3A_8 = arith.select %eq3A_6, %jit3A, %jit3A_7 : i32
    %scan3A = arith.constant 0 : i32
    %scan3A_9 = arith.constant 0 : i32
    %scan3A_10 = arith.constant 2048 : i32
    %scan3A_11 = arith.addi %scan3A_9, %scan3A_10 : i32
    %scan3A_12 = arith.constant 1 : i32
    scf.for %scan3A_53 = %scan3A_9 to %scan3A_11 step %scan3A_12  : i32 {
      %jit3A_54 = arith.constant 8 : i32
      %div3A = arith.divsi %scan3A_53, %jit3A_54 : i32
      %sign3A = arith.constant 0 : i32
      %sign3A_55 = arith.cmpi sgt, %scan3A_53, %sign3A : i32
      %sign3A_56 = arith.extui %sign3A_55 : i1 to i32
      %sign3A_57 = arith.constant 0 : i32
      %sign3A_58 = arith.cmpi slt, %scan3A_53, %sign3A_57 : i32
      %sign3A_59 = arith.extui %sign3A_58 : i1 to i32
      %sign3A_60 = arith.subi %sign3A_56, %sign3A_59 : i32
      %sign3A_61 = arith.constant 0 : i32
      %sign3A_62 = arith.cmpi sgt, %jit3A_54, %sign3A_61 : i32
      %sign3A_63 = arith.extui %sign3A_62 : i1 to i32
      %sign3A_64 = arith.constant 0 : i32
      %sign3A_65 = arith.cmpi slt, %jit3A_54, %sign3A_64 : i32
      %sign3A_66 = arith.extui %sign3A_65 : i1 to i32
      %sign3A_67 = arith.subi %sign3A_63, %sign3A_66 : i32
      %ne3A = arith.cmpi ne, %sign3A_60, %sign3A_67 : i32
      %rem3A = arith.remsi %scan3A_53, %jit3A_54 : i32
      %ne3A_68 = arith.constant 0 : i32
      %ne3A_69 = arith.cmpi ne, %rem3A, %ne3A_68 : i32
      %and3A = arith.andi %ne3A, %ne3A_69 : i1
      %sub3A_70 = arith.constant 1 : i32
      %sub3A_71 = arith.subi %div3A, %sub3A_70 : i32
      %select_n3A_72 = arith.select %and3A, %sub3A_71, %div3A : i32
      %jit3A_73 = arith.constant 8 : i32
      %eq3A_74 = arith.constant 0 : i32
      %eq3A_75 = arith.cmpi eq, %jit3A_73, %eq3A_74 : i32
      %jit3A_76 = arith.constant 1 : i32
      %select_n3A_77 = arith.select %eq3A_75, %jit3A_76, %jit3A_73 : i32
      %rem3A_78 = arith.remsi %scan3A_53, %select_n3A_77 : i32
      %ne3A_79 = arith.constant 0 : i32
      %ne3A_80 = arith.cmpi ne, %rem3A_78, %ne3A_79 : i32
      %lt3A = arith.constant 0 : i32
      %lt3A_81 = arith.cmpi slt, %rem3A_78, %lt3A : i32
      %lt3A_82 = arith.constant 0 : i32
      %lt3A_83 = arith.cmpi slt, %select_n3A_77, %lt3A_82 : i32
      %ne3A_84 = arith.xori %lt3A_81, %lt3A_83 : i1
      %and3A_85 = arith.andi %ne3A_84, %ne3A_80 : i1
      %add3A_86 = arith.addi %rem3A_78, %select_n3A_77 : i32
      %select_n3A_87 = arith.select %and3A_85, %add3A_86, %rem3A_78 : i32
      %broadcast_in_dim3A = arith.constant 0.000000e+00 : f32
      %broadcast_in_dim3A_88 = vector.broadcast %broadcast_in_dim3A : f32 to vector<16xf32>
      %mul3A_89 = arith.constant 16 : i32
      %mul3A_90 = arith.muli %select_n3A_87, %mul3A_89 : i32
      %swap3A = arith.index_cast %select_n3A_72 : i32 to index
      %swap3A_91 = arith.index_cast %mul3A_90 : i32 to index
      %swap3A_92 = tpu.vector_load %arg8[%swap3A, %swap3A_91] {strides = array<i32>} : memref<256x128xf32, #tpu.memory_space<vmem>>, vector<1x16xf32>,
      %swap3A_93 = vector.shape_cast %swap3A_92 : vector<1x16xf32> to vector<16xf32>
      %swap3A_94 = vector.shape_cast %broadcast_in_dim3A_88 : vector<16xf32> to vector<1x16xf32>
      tpu.vector_store %arg8[%swap3A, %swap3A_91], %swap3A_94 {strides = array<i32>} : memref<256x128xf32, #tpu.memory_space<vmem>>, vector<1x16xf32>,
    }
    %scan3A_13 = arith.constant 2048 : i32
    %mul3A_14 = arith.constant 640 : i32
    %mul3A_15 = arith.muli %arg1, %mul3A_14 : i32
    %add3A_16 = arith.constant 0 : i32
    %add3A_17 = arith.addi %mul3A_15, %add3A_16 : i32
    "tpu.region"() ({
      %run_scoped3A = tpu.sem_alloc : memref<!tpu.dma_semaphore, #tpu.memory_space<semaphore_mem>>
      %dma_start3A = arith.constant 0 : i32
      %dma_start3A_53 = tpu.memref_slice %arg9[%add3A_17, %dma_start3A] : memref<10240x128xf32, #tpu.memory_space<vmem_shared>> -> memref<256x128xf32, #tpu.memory_space<vmem_shared>>
      %dma_start3A_54 = arith.constant 0 : i32
      %dma_start3A_55 = tpu.memref_slice %arg9[%add3A_17, %dma_start3A_54] : memref<10240x128xf32, #tpu.memory_space<vmem_shared>> -> memref<256x128xf32, #tpu.memory_space<vmem_shared>>
      tpu.enqueue_dma source(%arg8 : memref<256x128xf32, #tpu.memory_space<vmem>>) target(%dma_start3A_55 : memref<256x128xf32, #tpu.memory_space<vmem_shared>>) target_semaphore(%run_scoped3A : memref<!tpu.dma_semaphore, #tpu.memory_space<semaphore_mem>>)
      %dma_wait3A = arith.constant 0 : i32
      %dma_wait3A_56 = tpu.memref_slice %arg9[%add3A_17, %dma_wait3A] : memref<10240x128xf32, #tpu.memory_space<vmem_shared>> -> memref<256x128xf32, #tpu.memory_space<vmem_shared>>
      %dma_wait3A_57 = arith.constant 0 : i32
      %dma_wait3A_58 = tpu.memref_slice %arg9[%add3A_17, %dma_wait3A_57] : memref<10240x128xf32, #tpu.memory_space<vmem_shared>> -> memref<256x128xf32, #tpu.memory_space<vmem_shared>>
      tpu.wait_dma2 semaphore(%run_scoped3A : memref<!tpu.dma_semaphore, #tpu.memory_space<semaphore_mem>>) src(%arg8 : memref<256x128xf32, #tpu.memory_space<vmem>>) dst(%dma_wait3A_58 : memref<256x128xf32, #tpu.memory_space<vmem_shared>>)
      tpu.yield
    }) : () -> ()
    %add3A_18 = arith.constant 256 : i32
    %add3A_19 = arith.addi %mul3A_15, %add3A_18 : i32
    "tpu.region"() ({
      %run_scoped3A = tpu.sem_alloc : memref<!tpu.dma_semaphore, #tpu.memory_space<semaphore_mem>>
      %dma_start3A = arith.constant 0 : i32
      %dma_start3A_53 = tpu.memref_slice %arg9[%add3A_19, %dma_start3A] : memref<10240x128xf32, #tpu.memory_space<vmem_shared>> -> memref<256x128xf32, #tpu.memory_space<vmem_shared>>
      %dma_start3A_54 = arith.constant 0 : i32
      %dma_start3A_55 = tpu.memref_slice %arg9[%add3A_19, %dma_start3A_54] : memref<10240x128xf32, #tpu.memory_space<vmem_shared>> -> memref<256x128xf32, #tpu.memory_space<vmem_shared>>
      tpu.enqueue_dma source(%arg8 : memref<256x128xf32, #tpu.memory_space<vmem>>) target(%dma_start3A_55 : memref<256x128xf32, #tpu.memory_space<vmem_shared>>) target_semaphore(%run_scoped3A : memref<!tpu.dma_semaphore, #tpu.memory_space<semaphore_mem>>)
      %dma_wait3A = arith.constant 0 : i32
      %dma_wait3A_56 = tpu.memref_slice %arg9[%add3A_19, %dma_wait3A] : memref<10240x128xf32, #tpu.memory_space<vmem_shared>> -> memref<256x128xf32, #tpu.memory_space<vmem_shared>>
      %dma_wait3A_57 = arith.constant 0 : i32
      %dma_wait3A_58 = tpu.memref_slice %arg9[%add3A_19, %dma_wait3A_57] : memref<10240x128xf32, #tpu.memory_space<vmem_shared>> -> memref<256x128xf32, #tpu.memory_space<vmem_shared>>
      tpu.wait_dma2 semaphore(%run_scoped3A : memref<!tpu.dma_semaphore, #tpu.memory_space<semaphore_mem>>) src(%arg8 : memref<256x128xf32, #tpu.memory_space<vmem>>) dst(%dma_wait3A_58 : memref<256x128xf32, #tpu.memory_space<vmem_shared>>)
      tpu.yield
    }) : () -> ()
    %add3A_20 = arith.constant 640 : i32
    %add3A_21 = arith.addi %mul3A_15, %add3A_20 : i32
    %sub3A = arith.constant 128 : i32
    %sub3A_22 = arith.subi %add3A_21, %sub3A : i32
    "tpu.region"() ({
      %run_scoped3A = tpu.sem_alloc : memref<!tpu.dma_semaphore, #tpu.memory_space<semaphore_mem>>
      %dma_start3A = arith.constant 0 : i32
      %dma_start3A_53 = arith.constant 0 : i32
      %dma_start3A_54 = tpu.memref_slice %arg8[%dma_start3A, %dma_start3A_53] : memref<256x128xf32, #tpu.memory_space<vmem>> -> memref<128x128xf32, #tpu.memory_space<vmem>>
      %dma_start3A_55 = arith.constant 0 : i32
      %dma_start3A_56 = tpu.memref_slice %arg9[%sub3A_22, %dma_start3A_55] : memref<10240x128xf32, #tpu.memory_space<vmem_shared>> -> memref<128x128xf32, #tpu.memory_space<vmem_shared>>
      %dma_start3A_57 = arith.constant 0 : i32
      %dma_start3A_58 = tpu.memref_slice %arg9[%sub3A_22, %dma_start3A_57] : memref<10240x128xf32, #tpu.memory_space<vmem_shared>> -> memref<128x128xf32, #tpu.memory_space<vmem_shared>>
      %dma_start3A_59 = arith.constant 0 : i32
      %dma_start3A_60 = arith.constant 0 : i32
      %dma_start3A_61 = tpu.memref_slice %arg8[%dma_start3A_59, %dma_start3A_60] : memref<256x128xf32, #tpu.memory_space<vmem>> -> memref<128x128xf32, #tpu.memory_space<vmem>>
      tpu.enqueue_dma source(%dma_start3A_61 : memref<128x128xf32, #tpu.memory_space<vmem>>) target(%dma_start3A_58 : memref<128x128xf32, #tpu.memory_space<vmem_shared>>) target_semaphore(%run_scoped3A : memref<!tpu.dma_semaphore, #tpu.memory_space<semaphore_mem>>)
      %dma_wait3A = arith.constant 0 : i32
      %dma_wait3A_62 = arith.constant 0 : i32
      %dma_wait3A_63 = tpu.memref_slice %arg8[%dma_wait3A, %dma_wait3A_62] : memref<256x128xf32, #tpu.memory_space<vmem>> -> memref<128x128xf32, #tpu.memory_space<vmem>>
      %dma_wait3A_64 = arith.constant 0 : i32
      %dma_wait3A_65 = tpu.memref_slice %arg9[%sub3A_22, %dma_wait3A_64] : memref<10240x128xf32, #tpu.memory_space<vmem_shared>> -> memref<128x128xf32, #tpu.memory_space<vmem_shared>>
      %dma_wait3A_66 = arith.constant 0 : i32
      %dma_wait3A_67 = tpu.memref_slice %arg9[%sub3A_22, %dma_wait3A_66] : memref<10240x128xf32, #tpu.memory_space<vmem_shared>> -> memref<128x128xf32, #tpu.memory_space<vmem_shared>>
      %dma_wait3A_68 = arith.constant 0 : i32
      %dma_wait3A_69 = arith.constant 0 : i32
      %dma_wait3A_70 = tpu.memref_slice %arg8[%dma_wait3A_68, %dma_wait3A_69] : memref<256x128xf32, #tpu.memory_space<vmem>> -> memref<128x128xf32, #tpu.memory_space<vmem>>
      tpu.wait_dma2 semaphore(%run_scoped3A : memref<!tpu.dma_semaphore, #tpu.memory_space<semaphore_mem>>) src(%dma_wait3A_70 : memref<128x128xf32, #tpu.memory_space<vmem>>) dst(%dma_wait3A_67 : memref<128x128xf32, #tpu.memory_space<vmem_shared>>)
      tpu.yield
    }) : () -> ()
    %barrier3A = arith.constant 0 : index
    tpu.barrier barrier_id(%barrier3A)
    %while3A = arith.constant 0 : i32
    %while3A_23 = arith.constant 0 : i32
    %while3A_24 = arith.subi %select_n3A_8, %while3A_23 : i32
    %while3A_25 = arith.addi %while3A_23, %while3A_24 : i32
    %while3A_26 = arith.constant 1 : i32
    %while3A_27 = arith.divsi %while3A_24, %while3A_26 : i32
    %while3A_28 = arith.muli %while3A_27, %while3A_26 : i32
    %while3A_29 = arith.addi %while3A_23, %while3A_28 : i32
    %while3A_30 = arith.constant 1 : i32
    scf.for %while3A_53 = %while3A_23 to %while3A_29 step %while3A_30  : i32 {
      %mul3A_54 = arith.constant 40 : i32
      %mul3A_55 = arith.muli %while3A_53, %mul3A_54 : i32
      %add3A_56 = arith.addi %select_n3A, %mul3A_55 : i32
      "tpu.region"() ({
        %run_scoped3A = tpu.sem_alloc : memref<!tpu.dma_semaphore, #tpu.memory_space<semaphore_mem>>
        %dma_start3A_83 = arith.constant 0 : i32
        %dma_start3A_84 = tpu.memref_slice %arg3[%add3A_56, %dma_start3A_83] : memref<2560x128xi32, #tpu.memory_space<hbm>> -> memref<40x128xi32, #tpu.memory_space<hbm>>
        %dma_start3A_85 = arith.constant 0 : i32
        %dma_start3A_86 = tpu.memref_slice %arg3[%add3A_56, %dma_start3A_85] : memref<2560x128xi32, #tpu.memory_space<hbm>> -> memref<40x128xi32, #tpu.memory_space<hbm>>
        tpu.enqueue_dma source(%dma_start3A_86 : memref<40x128xi32, #tpu.memory_space<hbm>>) target(%arg6 : memref<40x128xi32, #tpu.memory_space<vmem>>) target_semaphore(%run_scoped3A : memref<!tpu.dma_semaphore, #tpu.memory_space<semaphore_mem>>)
        %dma_wait3A_87 = arith.constant 0 : i32
        %dma_wait3A_88 = tpu.memref_slice %arg3[%add3A_56, %dma_wait3A_87] : memref<2560x128xi32, #tpu.memory_space<hbm>> -> memref<40x128xi32, #tpu.memory_space<hbm>>
        %dma_wait3A_89 = arith.constant 0 : i32
        %dma_wait3A_90 = tpu.memref_slice %arg3[%add3A_56, %dma_wait3A_89] : memref<2560x128xi32, #tpu.memory_space<hbm>> -> memref<40x128xi32, #tpu.memory_space<hbm>>
        tpu.wait_dma2 semaphore(%run_scoped3A : memref<!tpu.dma_semaphore, #tpu.memory_space<semaphore_mem>>) src(%dma_wait3A_90 : memref<40x128xi32, #tpu.memory_space<hbm>>) dst(%arg6 : memref<40x128xi32, #tpu.memory_space<vmem>>)
        tpu.yield
      }) : () -> ()
      %mul3A_57 = arith.constant 40 : i32
      %mul3A_58 = arith.muli %while3A_53, %mul3A_57 : i32
      %add3A_59 = arith.addi %select_n3A, %mul3A_58 : i32
      "tpu.region"() ({
        %run_scoped3A = tpu.sem_alloc : memref<!tpu.dma_semaphore, #tpu.memory_space<semaphore_mem>>
        %dma_start3A_83 = arith.constant 0 : i32
        %dma_start3A_84 = tpu.memref_slice %arg4[%add3A_59, %dma_start3A_83] : memref<2560x128xi32, #tpu.memory_space<hbm>> -> memref<40x128xi32, #tpu.memory_space<hbm>>
        %dma_start3A_85 = arith.constant 0 : i32
        %dma_start3A_86 = tpu.memref_slice %arg4[%add3A_59, %dma_start3A_85] : memref<2560x128xi32, #tpu.memory_space<hbm>> -> memref<40x128xi32, #tpu.memory_space<hbm>>
        tpu.enqueue_dma source(%dma_start3A_86 : memref<40x128xi32, #tpu.memory_space<hbm>>) target(%arg7 : memref<40x128xi32, #tpu.memory_space<vmem>>) target_semaphore(%run_scoped3A : memref<!tpu.dma_semaphore, #tpu.memory_space<semaphore_mem>>)
        %dma_wait3A_87 = arith.constant 0 : i32
        %dma_wait3A_88 = tpu.memref_slice %arg4[%add3A_59, %dma_wait3A_87] : memref<2560x128xi32, #tpu.memory_space<hbm>> -> memref<40x128xi32, #tpu.memory_space<hbm>>
        %dma_wait3A_89 = arith.constant 0 : i32
        %dma_wait3A_90 = tpu.memref_slice %arg4[%add3A_59, %dma_wait3A_89] : memref<2560x128xi32, #tpu.memory_space<hbm>> -> memref<40x128xi32, #tpu.memory_space<hbm>>
        tpu.wait_dma2 semaphore(%run_scoped3A : memref<!tpu.dma_semaphore, #tpu.memory_space<semaphore_mem>>) src(%dma_wait3A_90 : memref<40x128xi32, #tpu.memory_space<hbm>>) dst(%arg7 : memref<40x128xi32, #tpu.memory_space<vmem>>)
        tpu.yield
      }) : () -> ()
      %dma_start3A = arith.constant 0 : i32
      %dma_start3A_60 = arith.constant 0 : i32
      %dma_start3A_61 = arith.constant 0 : i32
      %dma_start3A_62 = tpu.memref_slice %arg8[%dma_start3A_60, %dma_start3A_61] : memref<256x128xf32, #tpu.memory_space<vmem>> -> memref<128x128xf32, #tpu.memory_space<vmem>>
      %dma_start3A_63 = arith.constant 0 : i32
      %dma_start3A_64 = tpu.memref_slice %arg6[%dma_start3A, %dma_start3A_63] : memref<40x128xi32, #tpu.memory_space<vmem>> -> memref<1x128xi32, #tpu.memory_space<vmem>>
      %dma_start3A_65 = tpu.memref_squeeze %dma_start3A_64 : memref<1x128xi32, #tpu.memory_space<vmem>> -> memref<128xi32, #tpu.memory_space<vmem>>
      %dma_start3A_66 = arith.constant 0 : i32
      %dma_start3A_67 = arith.constant 0 : i32
      %dma_start3A_68 = tpu.memref_slice %arg2[%dma_start3A_66, %dma_start3A_67] : memref<10000x128xf32, #tpu.memory_space<hbm>> -> memref<10000x128xf32, #tpu.memory_space<hbm>>
      tpu.enqueue_indirect_dma source(%dma_start3A_68 : memref<10000x128xf32, #tpu.memory_space<hbm>>) target(%dma_start3A_62 : memref<128x128xf32, #tpu.memory_space<vmem>>) offsets(%dma_start3A_65 : memref<128xi32, #tpu.memory_space<vmem>>) semaphore(%arg10 : memref<!tpu.dma_semaphore, #tpu.memory_space<semaphore_mem>>)
      %scan3A_69 = arith.constant 0 : i32
      %scan3A_70 = arith.constant 20 : i32
      %scan3A_71 = arith.addi %scan3A_69, %scan3A_70 : i32
      %scan3A_72 = arith.constant 1 : i32
      scf.for %scan3A_83 = %scan3A_69 to %scan3A_71 step %scan3A_72  : i32 {
        %mul3A_84 = arith.constant 2 : i32
        %mul3A_85 = arith.muli %mul3A_84, %scan3A_83 : i32
        %add3A_86 = arith.constant 1 : i32
        %add3A_87 = arith.addi %mul3A_85, %add3A_86 : i32
        %dma_start3A_88 = arith.constant 128 : i32
        %dma_start3A_89 = arith.constant 0 : i32
        %dma_start3A_90 = tpu.memref_slice %arg8[%dma_start3A_88, %dma_start3A_89] : memref<256x128xf32, #tpu.memory_space<vmem>> -> memref<128x128xf32, #tpu.memory_space<vmem>>
        %dma_start3A_91 = arith.constant 0 : i32
        %dma_start3A_92 = tpu.memref_slice %arg6[%add3A_87, %dma_start3A_91] : memref<40x128xi32, #tpu.memory_space<vmem>> -> memref<1x128xi32, #tpu.memory_space<vmem>>
        %dma_start3A_93 = tpu.memref_squeeze %dma_start3A_92 : memref<1x128xi32, #tpu.memory_space<vmem>> -> memref<128xi32, #tpu.memory_space<vmem>>
        %dma_start3A_94 = arith.constant 0 : i32
        %dma_start3A_95 = arith.constant 0 : i32
        %dma_start3A_96 = tpu.memref_slice %arg2[%dma_start3A_94, %dma_start3A_95] : memref<10000x128xf32, #tpu.memory_space<hbm>> -> memref<10000x128xf32, #tpu.memory_space<hbm>>
        tpu.enqueue_indirect_dma source(%dma_start3A_96 : memref<10000x128xf32, #tpu.memory_space<hbm>>) target(%dma_start3A_90 : memref<128x128xf32, #tpu.memory_space<vmem>>) offsets(%dma_start3A_93 : memref<128xi32, #tpu.memory_space<vmem>>) semaphore(%arg11 : memref<!tpu.dma_semaphore, #tpu.memory_space<semaphore_mem>>)
        %dma_wait3A_97 = arith.constant 0 : i32
        %dma_wait3A_98 = arith.constant 0 : i32
        %dma_wait3A_99 = tpu.memref_slice %arg8[%dma_wait3A_97, %dma_wait3A_98] : memref<256x128xf32, #tpu.memory_space<vmem>> -> memref<128x128xf32, #tpu.memory_space<vmem>>
        %dma_wait3A_100 = arith.constant 0 : i32
        %dma_wait3A_101 = tpu.memref_slice %arg6[%mul3A_85, %dma_wait3A_100] : memref<40x128xi32, #tpu.memory_space<vmem>> -> memref<1x128xi32, #tpu.memory_space<vmem>>
        %dma_wait3A_102 = tpu.memref_squeeze %dma_wait3A_101 : memref<1x128xi32, #tpu.memory_space<vmem>> -> memref<128xi32, #tpu.memory_space<vmem>>
        %dma_wait3A_103 = arith.constant 0 : i32
        %dma_wait3A_104 = arith.constant 0 : i32
        %dma_wait3A_105 = tpu.memref_slice %arg2[%dma_wait3A_103, %dma_wait3A_104] : memref<10000x128xf32, #tpu.memory_space<hbm>> -> memref<10000x128xf32, #tpu.memory_space<hbm>>
        tpu.wait_indirect_dma semaphore(%arg10 : memref<!tpu.dma_semaphore, #tpu.memory_space<semaphore_mem>>) src(%dma_wait3A_105 : memref<10000x128xf32, #tpu.memory_space<hbm>>) dst(%dma_wait3A_99 : memref<128x128xf32, #tpu.memory_space<vmem>>)
        "tpu.region"() ({
          %run_scoped3A = tpu.sem_alloc : memref<!tpu.dma_semaphore, #tpu.memory_space<semaphore_mem>>
          %dma_start3A_127 = arith.constant 0 : i32
          %dma_start3A_128 = arith.constant 0 : i32
          %dma_start3A_129 = tpu.memref_slice %arg8[%dma_start3A_127, %dma_start3A_128] : memref<256x128xf32, #tpu.memory_space<vmem>> -> memref<128x128xf32, #tpu.memory_space<vmem>>
          %dma_start3A_130 = arith.constant 0 : i32
          %dma_start3A_131 = tpu.memref_slice %arg7[%mul3A_85, %dma_start3A_130] : memref<40x128xi32, #tpu.memory_space<vmem>> -> memref<1x128xi32, #tpu.memory_space<vmem>>
          %dma_start3A_132 = tpu.memref_squeeze %dma_start3A_131 : memref<1x128xi32, #tpu.memory_space<vmem>> -> memref<128xi32, #tpu.memory_space<vmem>>
          %dma_start3A_133 = arith.constant 0 : i32
          %dma_start3A_134 = arith.constant 0 : i32
          %dma_start3A_135 = tpu.memref_slice %arg9[%dma_start3A_133, %dma_start3A_134] : memref<10240x128xf32, #tpu.memory_space<vmem_shared>> -> memref<10240x128xf32, #tpu.memory_space<vmem_shared>>
          tpu.enqueue_indirect_dma source(%dma_start3A_129 : memref<128x128xf32, #tpu.memory_space<vmem>>) target(%dma_start3A_135 : memref<10240x128xf32, #tpu.memory_space<vmem_shared>>) offsets(%dma_start3A_132 : memref<128xi32, #tpu.memory_space<vmem>>) semaphore(%run_scoped3A : memref<!tpu.dma_semaphore, #tpu.memory_space<semaphore_mem>>) {add = true}
          %dma_wait3A_136 = arith.constant 0 : i32
          %dma_wait3A_137 = arith.constant 0 : i32
          %dma_wait3A_138 = tpu.memref_slice %arg8[%dma_wait3A_136, %dma_wait3A_137] : memref<256x128xf32, #tpu.memory_space<vmem>> -> memref<128x128xf32, #tpu.memory_space<vmem>>
          %dma_wait3A_139 = arith.constant 0 : i32
          %dma_wait3A_140 = tpu.memref_slice %arg7[%mul3A_85, %dma_wait3A_139] : memref<40x128xi32, #tpu.memory_space<vmem>> -> memref<1x128xi32, #tpu.memory_space<vmem>>
          %dma_wait3A_141 = tpu.memref_squeeze %dma_wait3A_140 : memref<1x128xi32, #tpu.memory_space<vmem>> -> memref<128xi32, #tpu.memory_space<vmem>>
          %dma_wait3A_142 = arith.constant 0 : i32
          %dma_wait3A_143 = arith.constant 0 : i32
          %dma_wait3A_144 = tpu.memref_slice %arg9[%dma_wait3A_142, %dma_wait3A_143] : memref<10240x128xf32, #tpu.memory_space<vmem_shared>> -> memref<10240x128xf32, #tpu.memory_space<vmem_shared>>
          tpu.wait_indirect_dma semaphore(%run_scoped3A : memref<!tpu.dma_semaphore, #tpu.memory_space<semaphore_mem>>) src(%dma_wait3A_138 : memref<128x128xf32, #tpu.memory_space<vmem>>) dst(%dma_wait3A_144 : memref<10240x128xf32, #tpu.memory_space<vmem_shared>>)
          tpu.yield
        }) : () -> ()
        %add3A_106 = arith.constant 2 : i32
        %add3A_107 = arith.addi %mul3A_85, %add3A_106 : i32
        %rem3A = arith.constant 40 : i32
        %rem3A_108 = arith.remsi %add3A_107, %rem3A : i32
        %dma_start3A_109 = arith.constant 0 : i32
        %dma_start3A_110 = arith.constant 0 : i32
        %dma_start3A_111 = tpu.memref_slice %arg8[%dma_start3A_109, %dma_start3A_110] : memref<256x128xf32, #tpu.memory_space<vmem>> -> memref<128x128xf32, #tpu.memory_space<vmem>>
        %dma_start3A_112 = arith.constant 0 : i32
        %dma_start3A_113 = tpu.memref_slice %arg6[%rem3A_108, %dma_start3A_112] : memref<40x128xi32, #tpu.memory_space<vmem>> -> memref<1x128xi32, #tpu.memory_space<vmem>>
        %dma_start3A_114 = tpu.memref_squeeze %dma_start3A_113 : memref<1x128xi32, #tpu.memory_space<vmem>> -> memref<128xi32, #tpu.memory_space<vmem>>
        %dma_start3A_115 = arith.constant 0 : i32
        %dma_start3A_116 = arith.constant 0 : i32
        %dma_start3A_117 = tpu.memref_slice %arg2[%dma_start3A_115, %dma_start3A_116] : memref<10000x128xf32, #tpu.memory_space<hbm>> -> memref<10000x128xf32, #tpu.memory_space<hbm>>
        tpu.enqueue_indirect_dma source(%dma_start3A_117 : memref<10000x128xf32, #tpu.memory_space<hbm>>) target(%dma_start3A_111 : memref<128x128xf32, #tpu.memory_space<vmem>>) offsets(%dma_start3A_114 : memref<128xi32, #tpu.memory_space<vmem>>) semaphore(%arg10 : memref<!tpu.dma_semaphore, #tpu.memory_space<semaphore_mem>>)
        %dma_wait3A_118 = arith.constant 128 : i32
        %dma_wait3A_119 = arith.constant 0 : i32
        %dma_wait3A_120 = tpu.memref_slice %arg8[%dma_wait3A_118, %dma_wait3A_119] : memref<256x128xf32, #tpu.memory_space<vmem>> -> memref<128x128xf32, #tpu.memory_space<vmem>>
        %dma_wait3A_121 = arith.constant 0 : i32
        %dma_wait3A_122 = tpu.memref_slice %arg6[%add3A_87, %dma_wait3A_121] : memref<40x128xi32, #tpu.memory_space<vmem>> -> memref<1x128xi32, #tpu.memory_space<vmem>>
        %dma_wait3A_123 = tpu.memref_squeeze %dma_wait3A_122 : memref<1x128xi32, #tpu.memory_space<vmem>> -> memref<128xi32, #tpu.memory_space<vmem>>
        %dma_wait3A_124 = arith.constant 0 : i32
        %dma_wait3A_125 = arith.constant 0 : i32
        %dma_wait3A_126 = tpu.memref_slice %arg2[%dma_wait3A_124, %dma_wait3A_125] : memref<10000x128xf32, #tpu.memory_space<hbm>> -> memref<10000x128xf32, #tpu.memory_space<hbm>>
        tpu.wait_indirect_dma semaphore(%arg11 : memref<!tpu.dma_semaphore, #tpu.memory_space<semaphore_mem>>) src(%dma_wait3A_126 : memref<10000x128xf32, #tpu.memory_space<hbm>>) dst(%dma_wait3A_120 : memref<128x128xf32, #tpu.memory_space<vmem>>)
        "tpu.region"() ({
          %run_scoped3A = tpu.sem_alloc : memref<!tpu.dma_semaphore, #tpu.memory_space<semaphore_mem>>
          %dma_start3A_127 = arith.constant 128 : i32
          %dma_start3A_128 = arith.constant 0 : i32
          %dma_start3A_129 = tpu.memref_slice %arg8[%dma_start3A_127, %dma_start3A_128] : memref<256x128xf32, #tpu.memory_space<vmem>> -> memref<128x128xf32, #tpu.memory_space<vmem>>
          %dma_start3A_130 = arith.constant 0 : i32
          %dma_start3A_131 = tpu.memref_slice %arg7[%add3A_87, %dma_start3A_130] : memref<40x128xi32, #tpu.memory_space<vmem>> -> memref<1x128xi32, #tpu.memory_space<vmem>>
          %dma_start3A_132 = tpu.memref_squeeze %dma_start3A_131 : memref<1x128xi32, #tpu.memory_space<vmem>> -> memref<128xi32, #tpu.memory_space<vmem>>
          %dma_start3A_133 = arith.constant 0 : i32
          %dma_start3A_134 = arith.constant 0 : i32
          %dma_start3A_135 = tpu.memref_slice %arg9[%dma_start3A_133, %dma_start3A_134] : memref<10240x128xf32, #tpu.memory_space<vmem_shared>> -> memref<10240x128xf32, #tpu.memory_space<vmem_shared>>
          tpu.enqueue_indirect_dma source(%dma_start3A_129 : memref<128x128xf32, #tpu.memory_space<vmem>>) target(%dma_start3A_135 : memref<10240x128xf32, #tpu.memory_space<vmem_shared>>) offsets(%dma_start3A_132 : memref<128xi32, #tpu.memory_space<vmem>>) semaphore(%run_scoped3A : memref<!tpu.dma_semaphore, #tpu.memory_space<semaphore_mem>>) {add = true}
          %dma_wait3A_136 = arith.constant 128 : i32
          %dma_wait3A_137 = arith.constant 0 : i32
          %dma_wait3A_138 = tpu.memref_slice %arg8[%dma_wait3A_136, %dma_wait3A_137] : memref<256x128xf32, #tpu.memory_space<vmem>> -> memref<128x128xf32, #tpu.memory_space<vmem>>
          %dma_wait3A_139 = arith.constant 0 : i32
          %dma_wait3A_140 = tpu.memref_slice %arg7[%add3A_87, %dma_wait3A_139] : memref<40x128xi32, #tpu.memory_space<vmem>> -> memref<1x128xi32, #tpu.memory_space<vmem>>
          %dma_wait3A_141 = tpu.memref_squeeze %dma_wait3A_140 : memref<1x128xi32, #tpu.memory_space<vmem>> -> memref<128xi32, #tpu.memory_space<vmem>>
          %dma_wait3A_142 = arith.constant 0 : i32
          %dma_wait3A_143 = arith.constant 0 : i32
          %dma_wait3A_144 = tpu.memref_slice %arg9[%dma_wait3A_142, %dma_wait3A_143] : memref<10240x128xf32, #tpu.memory_space<vmem_shared>> -> memref<10240x128xf32, #tpu.memory_space<vmem_shared>>
          tpu.wait_indirect_dma semaphore(%run_scoped3A : memref<!tpu.dma_semaphore, #tpu.memory_space<semaphore_mem>>) src(%dma_wait3A_138 : memref<128x128xf32, #tpu.memory_space<vmem>>) dst(%dma_wait3A_144 : memref<10240x128xf32, #tpu.memory_space<vmem_shared>>)
          tpu.yield
        }) : () -> ()
      }
      %scan3A_73 = arith.constant 20 : i32
      %dma_wait3A = arith.constant 0 : i32
      %dma_wait3A_74 = arith.constant 0 : i32
      %dma_wait3A_75 = arith.constant 0 : i32
      %dma_wait3A_76 = tpu.memref_slice %arg8[%dma_wait3A_74, %dma_wait3A_75] : memref<256x128xf32, #tpu.memory_space<vmem>> -> memref<128x128xf32, #tpu.memory_space<vmem>>
      %dma_wait3A_77 = arith.constant 0 : i32
      %dma_wait3A_78 = tpu.memref_slice %arg6[%dma_wait3A, %dma_wait3A_77] : memref<40x128xi32, #tpu.memory_space<vmem>> -> memref<1x128xi32, #tpu.memory_space<vmem>>
      %dma_wait3A_79 = tpu.memref_squeeze %dma_wait3A_78 : memref<1x128xi32, #tpu.memory_space<vmem>> -> memref<128xi32, #tpu.memory_space<vmem>>
      %dma_wait3A_80 = arith.constant 0 : i32
      %dma_wait3A_81 = arith.constant 0 : i32
      %dma_wait3A_82 = tpu.memref_slice %arg2[%dma_wait3A_80, %dma_wait3A_81] : memref<10000x128xf32, #tpu.memory_space<hbm>> -> memref<10000x128xf32, #tpu.memory_space<hbm>>
      tpu.wait_indirect_dma semaphore(%arg10 : memref<!tpu.dma_semaphore, #tpu.memory_space<semaphore_mem>>) src(%dma_wait3A_82 : memref<10000x128xf32, #tpu.memory_space<hbm>>) dst(%dma_wait3A_76 : memref<128x128xf32, #tpu.memory_space<vmem>>)
    }
    %while3A_31 = arith.constant 1 : i32
    scf.for %while3A_53 = %while3A_29 to %while3A_25 step %while3A_31  : i32 {
      %mul3A_54 = arith.constant 40 : i32
      %mul3A_55 = arith.muli %while3A_53, %mul3A_54 : i32
      %add3A_56 = arith.addi %select_n3A, %mul3A_55 : i32
      "tpu.region"() ({
        %run_scoped3A = tpu.sem_alloc : memref<!tpu.dma_semaphore, #tpu.memory_space<semaphore_mem>>
        %dma_start3A_83 = arith.constant 0 : i32
        %dma_start3A_84 = tpu.memref_slice %arg3[%add3A_56, %dma_start3A_83] : memref<2560x128xi32, #tpu.memory_space<hbm>> -> memref<40x128xi32, #tpu.memory_space<hbm>>
        %dma_start3A_85 = arith.constant 0 : i32
        %dma_start3A_86 = tpu.memref_slice %arg3[%add3A_56, %dma_start3A_85] : memref<2560x128xi32, #tpu.memory_space<hbm>> -> memref<40x128xi32, #tpu.memory_space<hbm>>
        tpu.enqueue_dma source(%dma_start3A_86 : memref<40x128xi32, #tpu.memory_space<hbm>>) target(%arg6 : memref<40x128xi32, #tpu.memory_space<vmem>>) target_semaphore(%run_scoped3A : memref<!tpu.dma_semaphore, #tpu.memory_space<semaphore_mem>>)
        %dma_wait3A_87 = arith.constant 0 : i32
        %dma_wait3A_88 = tpu.memref_slice %arg3[%add3A_56, %dma_wait3A_87] : memref<2560x128xi32, #tpu.memory_space<hbm>> -> memref<40x128xi32, #tpu.memory_space<hbm>>
        %dma_wait3A_89 = arith.constant 0 : i32
        %dma_wait3A_90 = tpu.memref_slice %arg3[%add3A_56, %dma_wait3A_89] : memref<2560x128xi32, #tpu.memory_space<hbm>> -> memref<40x128xi32, #tpu.memory_space<hbm>>
        tpu.wait_dma2 semaphore(%run_scoped3A : memref<!tpu.dma_semaphore, #tpu.memory_space<semaphore_mem>>) src(%dma_wait3A_90 : memref<40x128xi32, #tpu.memory_space<hbm>>) dst(%arg6 : memref<40x128xi32, #tpu.memory_space<vmem>>)
        tpu.yield
      }) : () -> ()
      %mul3A_57 = arith.constant 40 : i32
      %mul3A_58 = arith.muli %while3A_53, %mul3A_57 : i32
      %add3A_59 = arith.addi %select_n3A, %mul3A_58 : i32
      "tpu.region"() ({
        %run_scoped3A = tpu.sem_alloc : memref<!tpu.dma_semaphore, #tpu.memory_space<semaphore_mem>>
        %dma_start3A_83 = arith.constant 0 : i32
        %dma_start3A_84 = tpu.memref_slice %arg4[%add3A_59, %dma_start3A_83] : memref<2560x128xi32, #tpu.memory_space<hbm>> -> memref<40x128xi32, #tpu.memory_space<hbm>>
        %dma_start3A_85 = arith.constant 0 : i32
        %dma_start3A_86 = tpu.memref_slice %arg4[%add3A_59, %dma_start3A_85] : memref<2560x128xi32, #tpu.memory_space<hbm>> -> memref<40x128xi32, #tpu.memory_space<hbm>>
        tpu.enqueue_dma source(%dma_start3A_86 : memref<40x128xi32, #tpu.memory_space<hbm>>) target(%arg7 : memref<40x128xi32, #tpu.memory_space<vmem>>) target_semaphore(%run_scoped3A : memref<!tpu.dma_semaphore, #tpu.memory_space<semaphore_mem>>)
        %dma_wait3A_87 = arith.constant 0 : i32
        %dma_wait3A_88 = tpu.memref_slice %arg4[%add3A_59, %dma_wait3A_87] : memref<2560x128xi32, #tpu.memory_space<hbm>> -> memref<40x128xi32, #tpu.memory_space<hbm>>
        %dma_wait3A_89 = arith.constant 0 : i32
        %dma_wait3A_90 = tpu.memref_slice %arg4[%add3A_59, %dma_wait3A_89] : memref<2560x128xi32, #tpu.memory_space<hbm>> -> memref<40x128xi32, #tpu.memory_space<hbm>>
        tpu.wait_dma2 semaphore(%run_scoped3A : memref<!tpu.dma_semaphore, #tpu.memory_space<semaphore_mem>>) src(%dma_wait3A_90 : memref<40x128xi32, #tpu.memory_space<hbm>>) dst(%arg7 : memref<40x128xi32, #tpu.memory_space<vmem>>)
        tpu.yield
      }) : () -> ()
      %dma_start3A = arith.constant 0 : i32
      %dma_start3A_60 = arith.constant 0 : i32
      %dma_start3A_61 = arith.constant 0 : i32
      %dma_start3A_62 = tpu.memref_slice %arg8[%dma_start3A_60, %dma_start3A_61] : memref<256x128xf32, #tpu.memory_space<vmem>> -> memref<128x128xf32, #tpu.memory_space<vmem>>
      %dma_start3A_63 = arith.constant 0 : i32
      %dma_start3A_64 = tpu.memref_slice %arg6[%dma_start3A, %dma_start3A_63] : memref<40x128xi32, #tpu.memory_space<vmem>> -> memref<1x128xi32, #tpu.memory_space<vmem>>
      %dma_start3A_65 = tpu.memref_squeeze %dma_start3A_64 : memref<1x128xi32, #tpu.memory_space<vmem>> -> memref<128xi32, #tpu.memory_space<vmem>>
      %dma_start3A_66 = arith.constant 0 : i32
      %dma_start3A_67 = arith.constant 0 : i32
      %dma_start3A_68 = tpu.memref_slice %arg2[%dma_start3A_66, %dma_start3A_67] : memref<10000x128xf32, #tpu.memory_space<hbm>> -> memref<10000x128xf32, #tpu.memory_space<hbm>>
      tpu.enqueue_indirect_dma source(%dma_start3A_68 : memref<10000x128xf32, #tpu.memory_space<hbm>>) target(%dma_start3A_62 : memref<128x128xf32, #tpu.memory_space<vmem>>) offsets(%dma_start3A_65 : memref<128xi32, #tpu.memory_space<vmem>>) semaphore(%arg10 : memref<!tpu.dma_semaphore, #tpu.memory_space<semaphore_mem>>)
      %scan3A_69 = arith.constant 0 : i32
      %scan3A_70 = arith.constant 20 : i32
      %scan3A_71 = arith.addi %scan3A_69, %scan3A_70 : i32
      %scan3A_72 = arith.constant 1 : i32
      scf.for %scan3A_83 = %scan3A_69 to %scan3A_71 step %scan3A_72  : i32 {
        %mul3A_84 = arith.constant 2 : i32
        %mul3A_85 = arith.muli %mul3A_84, %scan3A_83 : i32
        %add3A_86 = arith.constant 1 : i32
        %add3A_87 = arith.addi %mul3A_85, %add3A_86 : i32
        %dma_start3A_88 = arith.constant 128 : i32
        %dma_start3A_89 = arith.constant 0 : i32
        %dma_start3A_90 = tpu.memref_slice %arg8[%dma_start3A_88, %dma_start3A_89] : memref<256x128xf32, #tpu.memory_space<vmem>> -> memref<128x128xf32, #tpu.memory_space<vmem>>
        %dma_start3A_91 = arith.constant 0 : i32
        %dma_start3A_92 = tpu.memref_slice %arg6[%add3A_87, %dma_start3A_91] : memref<40x128xi32, #tpu.memory_space<vmem>> -> memref<1x128xi32, #tpu.memory_space<vmem>>
        %dma_start3A_93 = tpu.memref_squeeze %dma_start3A_92 : memref<1x128xi32, #tpu.memory_space<vmem>> -> memref<128xi32, #tpu.memory_space<vmem>>
        %dma_start3A_94 = arith.constant 0 : i32
        %dma_start3A_95 = arith.constant 0 : i32
        %dma_start3A_96 = tpu.memref_slice %arg2[%dma_start3A_94, %dma_start3A_95] : memref<10000x128xf32, #tpu.memory_space<hbm>> -> memref<10000x128xf32, #tpu.memory_space<hbm>>
        tpu.enqueue_indirect_dma source(%dma_start3A_96 : memref<10000x128xf32, #tpu.memory_space<hbm>>) target(%dma_start3A_90 : memref<128x128xf32, #tpu.memory_space<vmem>>) offsets(%dma_start3A_93 : memref<128xi32, #tpu.memory_space<vmem>>) semaphore(%arg11 : memref<!tpu.dma_semaphore, #tpu.memory_space<semaphore_mem>>)
        %dma_wait3A_97 = arith.constant 0 : i32
        %dma_wait3A_98 = arith.constant 0 : i32
        %dma_wait3A_99 = tpu.memref_slice %arg8[%dma_wait3A_97, %dma_wait3A_98] : memref<256x128xf32, #tpu.memory_space<vmem>> -> memref<128x128xf32, #tpu.memory_space<vmem>>
        %dma_wait3A_100 = arith.constant 0 : i32
        %dma_wait3A_101 = tpu.memref_slice %arg6[%mul3A_85, %dma_wait3A_100] : memref<40x128xi32, #tpu.memory_space<vmem>> -> memref<1x128xi32, #tpu.memory_space<vmem>>
        %dma_wait3A_102 = tpu.memref_squeeze %dma_wait3A_101 : memref<1x128xi32, #tpu.memory_space<vmem>> -> memref<128xi32, #tpu.memory_space<vmem>>
        %dma_wait3A_103 = arith.constant 0 : i32
        %dma_wait3A_104 = arith.constant 0 : i32
        %dma_wait3A_105 = tpu.memref_slice %arg2[%dma_wait3A_103, %dma_wait3A_104] : memref<10000x128xf32, #tpu.memory_space<hbm>> -> memref<10000x128xf32, #tpu.memory_space<hbm>>
        tpu.wait_indirect_dma semaphore(%arg10 : memref<!tpu.dma_semaphore, #tpu.memory_space<semaphore_mem>>) src(%dma_wait3A_105 : memref<10000x128xf32, #tpu.memory_space<hbm>>) dst(%dma_wait3A_99 : memref<128x128xf32, #tpu.memory_space<vmem>>)
        "tpu.region"() ({
          %run_scoped3A = tpu.sem_alloc : memref<!tpu.dma_semaphore, #tpu.memory_space<semaphore_mem>>
          %dma_start3A_127 = arith.constant 0 : i32
          %dma_start3A_128 = arith.constant 0 : i32
          %dma_start3A_129 = tpu.memref_slice %arg8[%dma_start3A_127, %dma_start3A_128] : memref<256x128xf32, #tpu.memory_space<vmem>> -> memref<128x128xf32, #tpu.memory_space<vmem>>
          %dma_start3A_130 = arith.constant 0 : i32
          %dma_start3A_131 = tpu.memref_slice %arg7[%mul3A_85, %dma_start3A_130] : memref<40x128xi32, #tpu.memory_space<vmem>> -> memref<1x128xi32, #tpu.memory_space<vmem>>
          %dma_start3A_132 = tpu.memref_squeeze %dma_start3A_131 : memref<1x128xi32, #tpu.memory_space<vmem>> -> memref<128xi32, #tpu.memory_space<vmem>>
          %dma_start3A_133 = arith.constant 0 : i32
          %dma_start3A_134 = arith.constant 0 : i32
          %dma_start3A_135 = tpu.memref_slice %arg9[%dma_start3A_133, %dma_start3A_134] : memref<10240x128xf32, #tpu.memory_space<vmem_shared>> -> memref<10240x128xf32, #tpu.memory_space<vmem_shared>>
          tpu.enqueue_indirect_dma source(%dma_start3A_129 : memref<128x128xf32, #tpu.memory_space<vmem>>) target(%dma_start3A_135 : memref<10240x128xf32, #tpu.memory_space<vmem_shared>>) offsets(%dma_start3A_132 : memref<128xi32, #tpu.memory_space<vmem>>) semaphore(%run_scoped3A : memref<!tpu.dma_semaphore, #tpu.memory_space<semaphore_mem>>) {add = true}
          %dma_wait3A_136 = arith.constant 0 : i32
          %dma_wait3A_137 = arith.constant 0 : i32
          %dma_wait3A_138 = tpu.memref_slice %arg8[%dma_wait3A_136, %dma_wait3A_137] : memref<256x128xf32, #tpu.memory_space<vmem>> -> memref<128x128xf32, #tpu.memory_space<vmem>>
          %dma_wait3A_139 = arith.constant 0 : i32
          %dma_wait3A_140 = tpu.memref_slice %arg7[%mul3A_85, %dma_wait3A_139] : memref<40x128xi32, #tpu.memory_space<vmem>> -> memref<1x128xi32, #tpu.memory_space<vmem>>
          %dma_wait3A_141 = tpu.memref_squeeze %dma_wait3A_140 : memref<1x128xi32, #tpu.memory_space<vmem>> -> memref<128xi32, #tpu.memory_space<vmem>>
          %dma_wait3A_142 = arith.constant 0 : i32
          %dma_wait3A_143 = arith.constant 0 : i32
          %dma_wait3A_144 = tpu.memref_slice %arg9[%dma_wait3A_142, %dma_wait3A_143] : memref<10240x128xf32, #tpu.memory_space<vmem_shared>> -> memref<10240x128xf32, #tpu.memory_space<vmem_shared>>
          tpu.wait_indirect_dma semaphore(%run_scoped3A : memref<!tpu.dma_semaphore, #tpu.memory_space<semaphore_mem>>) src(%dma_wait3A_138 : memref<128x128xf32, #tpu.memory_space<vmem>>) dst(%dma_wait3A_144 : memref<10240x128xf32, #tpu.memory_space<vmem_shared>>)
          tpu.yield
        }) : () -> ()
        %add3A_106 = arith.constant 2 : i32
        %add3A_107 = arith.addi %mul3A_85, %add3A_106 : i32
        %rem3A = arith.constant 40 : i32
        %rem3A_108 = arith.remsi %add3A_107, %rem3A : i32
        %dma_start3A_109 = arith.constant 0 : i32
        %dma_start3A_110 = arith.constant 0 : i32
        %dma_start3A_111 = tpu.memref_slice %arg8[%dma_start3A_109, %dma_start3A_110] : memref<256x128xf32, #tpu.memory_space<vmem>> -> memref<128x128xf32, #tpu.memory_space<vmem>>
        %dma_start3A_112 = arith.constant 0 : i32
        %dma_start3A_113 = tpu.memref_slice %arg6[%rem3A_108, %dma_start3A_112] : memref<40x128xi32, #tpu.memory_space<vmem>> -> memref<1x128xi32, #tpu.memory_space<vmem>>
        %dma_start3A_114 = tpu.memref_squeeze %dma_start3A_113 : memref<1x128xi32, #tpu.memory_space<vmem>> -> memref<128xi32, #tpu.memory_space<vmem>>
        %dma_start3A_115 = arith.constant 0 : i32
        %dma_start3A_116 = arith.constant 0 : i32
        %dma_start3A_117 = tpu.memref_slice %arg2[%dma_start3A_115, %dma_start3A_116] : memref<10000x128xf32, #tpu.memory_space<hbm>> -> memref<10000x128xf32, #tpu.memory_space<hbm>>
        tpu.enqueue_indirect_dma source(%dma_start3A_117 : memref<10000x128xf32, #tpu.memory_space<hbm>>) target(%dma_start3A_111 : memref<128x128xf32, #tpu.memory_space<vmem>>) offsets(%dma_start3A_114 : memref<128xi32, #tpu.memory_space<vmem>>) semaphore(%arg10 : memref<!tpu.dma_semaphore, #tpu.memory_space<semaphore_mem>>)
        %dma_wait3A_118 = arith.constant 128 : i32
        %dma_wait3A_119 = arith.constant 0 : i32
        %dma_wait3A_120 = tpu.memref_slice %arg8[%dma_wait3A_118, %dma_wait3A_119] : memref<256x128xf32, #tpu.memory_space<vmem>> -> memref<128x128xf32, #tpu.memory_space<vmem>>
        %dma_wait3A_121 = arith.constant 0 : i32
        %dma_wait3A_122 = tpu.memref_slice %arg6[%add3A_87, %dma_wait3A_121] : memref<40x128xi32, #tpu.memory_space<vmem>> -> memref<1x128xi32, #tpu.memory_space<vmem>>
        %dma_wait3A_123 = tpu.memref_squeeze %dma_wait3A_122 : memref<1x128xi32, #tpu.memory_space<vmem>> -> memref<128xi32, #tpu.memory_space<vmem>>
        %dma_wait3A_124 = arith.constant 0 : i32
        %dma_wait3A_125 = arith.constant 0 : i32
        %dma_wait3A_126 = tpu.memref_slice %arg2[%dma_wait3A_124, %dma_wait3A_125] : memref<10000x128xf32, #tpu.memory_space<hbm>> -> memref<10000x128xf32, #tpu.memory_space<hbm>>
        tpu.wait_indirect_dma semaphore(%arg11 : memref<!tpu.dma_semaphore, #tpu.memory_space<semaphore_mem>>) src(%dma_wait3A_126 : memref<10000x128xf32, #tpu.memory_space<hbm>>) dst(%dma_wait3A_120 : memref<128x128xf32, #tpu.memory_space<vmem>>)
        "tpu.region"() ({
          %run_scoped3A = tpu.sem_alloc : memref<!tpu.dma_semaphore, #tpu.memory_space<semaphore_mem>>
          %dma_start3A_127 = arith.constant 128 : i32
          %dma_start3A_128 = arith.constant 0 : i32
          %dma_start3A_129 = tpu.memref_slice %arg8[%dma_start3A_127, %dma_start3A_128] : memref<256x128xf32, #tpu.memory_space<vmem>> -> memref<128x128xf32, #tpu.memory_space<vmem>>
          %dma_start3A_130 = arith.constant 0 : i32
          %dma_start3A_131 = tpu.memref_slice %arg7[%add3A_87, %dma_start3A_130] : memref<40x128xi32, #tpu.memory_space<vmem>> -> memref<1x128xi32, #tpu.memory_space<vmem>>
          %dma_start3A_132 = tpu.memref_squeeze %dma_start3A_131 : memref<1x128xi32, #tpu.memory_space<vmem>> -> memref<128xi32, #tpu.memory_space<vmem>>
          %dma_start3A_133 = arith.constant 0 : i32
          %dma_start3A_134 = arith.constant 0 : i32
          %dma_start3A_135 = tpu.memref_slice %arg9[%dma_start3A_133, %dma_start3A_134] : memref<10240x128xf32, #tpu.memory_space<vmem_shared>> -> memref<10240x128xf32, #tpu.memory_space<vmem_shared>>
          tpu.enqueue_indirect_dma source(%dma_start3A_129 : memref<128x128xf32, #tpu.memory_space<vmem>>) target(%dma_start3A_135 : memref<10240x128xf32, #tpu.memory_space<vmem_shared>>) offsets(%dma_start3A_132 : memref<128xi32, #tpu.memory_space<vmem>>) semaphore(%run_scoped3A : memref<!tpu.dma_semaphore, #tpu.memory_space<semaphore_mem>>) {add = true}
          %dma_wait3A_136 = arith.constant 128 : i32
          %dma_wait3A_137 = arith.constant 0 : i32
          %dma_wait3A_138 = tpu.memref_slice %arg8[%dma_wait3A_136, %dma_wait3A_137] : memref<256x128xf32, #tpu.memory_space<vmem>> -> memref<128x128xf32, #tpu.memory_space<vmem>>
          %dma_wait3A_139 = arith.constant 0 : i32
          %dma_wait3A_140 = tpu.memref_slice %arg7[%add3A_87, %dma_wait3A_139] : memref<40x128xi32, #tpu.memory_space<vmem>> -> memref<1x128xi32, #tpu.memory_space<vmem>>
          %dma_wait3A_141 = tpu.memref_squeeze %dma_wait3A_140 : memref<1x128xi32, #tpu.memory_space<vmem>> -> memref<128xi32, #tpu.memory_space<vmem>>
          %dma_wait3A_142 = arith.constant 0 : i32
          %dma_wait3A_143 = arith.constant 0 : i32
          %dma_wait3A_144 = tpu.memref_slice %arg9[%dma_wait3A_142, %dma_wait3A_143] : memref<10240x128xf32, #tpu.memory_space<vmem_shared>> -> memref<10240x128xf32, #tpu.memory_space<vmem_shared>>
          tpu.wait_indirect_dma semaphore(%run_scoped3A : memref<!tpu.dma_semaphore, #tpu.memory_space<semaphore_mem>>) src(%dma_wait3A_138 : memref<128x128xf32, #tpu.memory_space<vmem>>) dst(%dma_wait3A_144 : memref<10240x128xf32, #tpu.memory_space<vmem_shared>>)
          tpu.yield
        }) : () -> ()
      }
      %scan3A_73 = arith.constant 20 : i32
      %dma_wait3A = arith.constant 0 : i32
      %dma_wait3A_74 = arith.constant 0 : i32
      %dma_wait3A_75 = arith.constant 0 : i32
      %dma_wait3A_76 = tpu.memref_slice %arg8[%dma_wait3A_74, %dma_wait3A_75] : memref<256x128xf32, #tpu.memory_space<vmem>> -> memref<128x128xf32, #tpu.memory_space<vmem>>
      %dma_wait3A_77 = arith.constant 0 : i32
      %dma_wait3A_78 = tpu.memref_slice %arg6[%dma_wait3A, %dma_wait3A_77] : memref<40x128xi32, #tpu.memory_space<vmem>> -> memref<1x128xi32, #tpu.memory_space<vmem>>
      %dma_wait3A_79 = tpu.memref_squeeze %dma_wait3A_78 : memref<1x128xi32, #tpu.memory_space<vmem>> -> memref<128xi32, #tpu.memory_space<vmem>>
      %dma_wait3A_80 = arith.constant 0 : i32
      %dma_wait3A_81 = arith.constant 0 : i32
      %dma_wait3A_82 = tpu.memref_slice %arg2[%dma_wait3A_80, %dma_wait3A_81] : memref<10000x128xf32, #tpu.memory_space<hbm>> -> memref<10000x128xf32, #tpu.memory_space<hbm>>
      tpu.wait_indirect_dma semaphore(%arg10 : memref<!tpu.dma_semaphore, #tpu.memory_space<semaphore_mem>>) src(%dma_wait3A_82 : memref<10000x128xf32, #tpu.memory_space<hbm>>) dst(%dma_wait3A_76 : memref<128x128xf32, #tpu.memory_space<vmem>>)
    }
    %barrier3A_32 = arith.constant 0 : index
    tpu.barrier barrier_id(%barrier3A_32)
    %add3A_33 = arith.constant 0 : i32
    %add3A_34 = arith.addi %mul3A_15, %add3A_33 : i32
    %add3A_35 = arith.constant 0 : i32
    %add3A_36 = arith.addi %mul3A_15, %add3A_35 : i32
    "tpu.region"() ({
      %run_scoped3A = tpu.sem_alloc : memref<!tpu.dma_semaphore, #tpu.memory_space<semaphore_mem>>
      %dma_start3A = arith.constant 0 : i32
      %dma_start3A_53 = tpu.memref_slice %arg5[%arg0, %add3A_36, %dma_start3A] : memref<2x10240x128xf32, #tpu.memory_space<hbm>> -> memref<1x128x128xf32, #tpu.memory_space<hbm>>
      %dma_start3A_54 = tpu.memref_squeeze %dma_start3A_53 : memref<1x128x128xf32, #tpu.memory_space<hbm>> -> memref<128x128xf32, #tpu.memory_space<hbm>>
      %dma_start3A_55 = arith.constant 0 : i32
      %dma_start3A_56 = tpu.memref_slice %arg9[%add3A_34, %dma_start3A_55] : memref<10240x128xf32, #tpu.memory_space<vmem_shared>> -> memref<128x128xf32, #tpu.memory_space<vmem_shared>>
      tpu.enqueue_dma source(%dma_start3A_56 : memref<128x128xf32, #tpu.memory_space<vmem_shared>>) target(%dma_start3A_54 : memref<128x128xf32, #tpu.memory_space<hbm>>) target_semaphore(%run_scoped3A : memref<!tpu.dma_semaphore, #tpu.memory_space<semaphore_mem>>)
      %dma_wait3A = arith.constant 0 : i32
      %dma_wait3A_57 = tpu.memref_slice %arg5[%arg0, %add3A_36, %dma_wait3A] : memref<2x10240x128xf32, #tpu.memory_space<hbm>> -> memref<1x128x128xf32, #tpu.memory_space<hbm>>
      %dma_wait3A_58 = tpu.memref_squeeze %dma_wait3A_57 : memref<1x128x128xf32, #tpu.memory_space<hbm>> -> memref<128x128xf32, #tpu.memory_space<hbm>>
      %dma_wait3A_59 = arith.constant 0 : i32
      %dma_wait3A_60 = tpu.memref_slice %arg9[%add3A_34, %dma_wait3A_59] : memref<10240x128xf32, #tpu.memory_space<vmem_shared>> -> memref<128x128xf32, #tpu.memory_space<vmem_shared>>
      tpu.wait_dma2 semaphore(%run_scoped3A : memref<!tpu.dma_semaphore, #tpu.memory_space<semaphore_mem>>) src(%dma_wait3A_60 : memref<128x128xf32, #tpu.memory_space<vmem_shared>>) dst(%dma_wait3A_58 : memref<128x128xf32, #tpu.memory_space<hbm>>)
      tpu.yield
    }) : () -> ()
    %add3A_37 = arith.constant 128 : i32
    %add3A_38 = arith.addi %mul3A_15, %add3A_37 : i32
    %add3A_39 = arith.constant 128 : i32
    %add3A_40 = arith.addi %mul3A_15, %add3A_39 : i32
    "tpu.region"() ({
      %run_scoped3A = tpu.sem_alloc : memref<!tpu.dma_semaphore, #tpu.memory_space<semaphore_mem>>
      %dma_start3A = arith.constant 0 : i32
      %dma_start3A_53 = tpu.memref_slice %arg5[%arg0, %add3A_40, %dma_start3A] : memref<2x10240x128xf32, #tpu.memory_space<hbm>> -> memref<1x128x128xf32, #tpu.memory_space<hbm>>
      %dma_start3A_54 = tpu.memref_squeeze %dma_start3A_53 : memref<1x128x128xf32, #tpu.memory_space<hbm>> -> memref<128x128xf32, #tpu.memory_space<hbm>>
      %dma_start3A_55 = arith.constant 0 : i32
      %dma_start3A_56 = tpu.memref_slice %arg9[%add3A_38, %dma_start3A_55] : memref<10240x128xf32, #tpu.memory_space<vmem_shared>> -> memref<128x128xf32, #tpu.memory_space<vmem_shared>>
      tpu.enqueue_dma source(%dma_start3A_56 : memref<128x128xf32, #tpu.memory_space<vmem_shared>>) target(%dma_start3A_54 : memref<128x128xf32, #tpu.memory_space<hbm>>) target_semaphore(%run_scoped3A : memref<!tpu.dma_semaphore, #tpu.memory_space<semaphore_mem>>)
      %dma_wait3A = arith.constant 0 : i32
      %dma_wait3A_57 = tpu.memref_slice %arg5[%arg0, %add3A_40, %dma_wait3A] : memref<2x10240x128xf32, #tpu.memory_space<hbm>> -> memref<1x128x128xf32, #tpu.memory_space<hbm>>
      %dma_wait3A_58 = tpu.memref_squeeze %dma_wait3A_57 : memref<1x128x128xf32, #tpu.memory_space<hbm>> -> memref<128x128xf32, #tpu.memory_space<hbm>>
      %dma_wait3A_59 = arith.constant 0 : i32
      %dma_wait3A_60 = tpu.memref_slice %arg9[%add3A_38, %dma_wait3A_59] : memref<10240x128xf32, #tpu.memory_space<vmem_shared>> -> memref<128x128xf32, #tpu.memory_space<vmem_shared>>
      tpu.wait_dma2 semaphore(%run_scoped3A : memref<!tpu.dma_semaphore, #tpu.memory_space<semaphore_mem>>) src(%dma_wait3A_60 : memref<128x128xf32, #tpu.memory_space<vmem_shared>>) dst(%dma_wait3A_58 : memref<128x128xf32, #tpu.memory_space<hbm>>)
      tpu.yield
    }) : () -> ()
    %add3A_41 = arith.constant 256 : i32
    %add3A_42 = arith.addi %mul3A_15, %add3A_41 : i32
    %add3A_43 = arith.constant 256 : i32
    %add3A_44 = arith.addi %mul3A_15, %add3A_43 : i32
    "tpu.region"() ({
      %run_scoped3A = tpu.sem_alloc : memref<!tpu.dma_semaphore, #tpu.memory_space<semaphore_mem>>
      %dma_start3A = arith.constant 0 : i32
      %dma_start3A_53 = tpu.memref_slice %arg5[%arg0, %add3A_44, %dma_start3A] : memref<2x10240x128xf32, #tpu.memory_space<hbm>> -> memref<1x128x128xf32, #tpu.memory_space<hbm>>
      %dma_start3A_54 = tpu.memref_squeeze %dma_start3A_53 : memref<1x128x128xf32, #tpu.memory_space<hbm>> -> memref<128x128xf32, #tpu.memory_space<hbm>>
      %dma_start3A_55 = arith.constant 0 : i32
      %dma_start3A_56 = tpu.memref_slice %arg9[%add3A_42, %dma_start3A_55] : memref<10240x128xf32, #tpu.memory_space<vmem_shared>> -> memref<128x128xf32, #tpu.memory_space<vmem_shared>>
      tpu.enqueue_dma source(%dma_start3A_56 : memref<128x128xf32, #tpu.memory_space<vmem_shared>>) target(%dma_start3A_54 : memref<128x128xf32, #tpu.memory_space<hbm>>) target_semaphore(%run_scoped3A : memref<!tpu.dma_semaphore, #tpu.memory_space<semaphore_mem>>)
      %dma_wait3A = arith.constant 0 : i32
      %dma_wait3A_57 = tpu.memref_slice %arg5[%arg0, %add3A_44, %dma_wait3A] : memref<2x10240x128xf32, #tpu.memory_space<hbm>> -> memref<1x128x128xf32, #tpu.memory_space<hbm>>
      %dma_wait3A_58 = tpu.memref_squeeze %dma_wait3A_57 : memref<1x128x128xf32, #tpu.memory_space<hbm>> -> memref<128x128xf32, #tpu.memory_space<hbm>>
      %dma_wait3A_59 = arith.constant 0 : i32
      %dma_wait3A_60 = tpu.memref_slice %arg9[%add3A_42, %dma_wait3A_59] : memref<10240x128xf32, #tpu.memory_space<vmem_shared>> -> memref<128x128xf32, #tpu.memory_space<vmem_shared>>
      tpu.wait_dma2 semaphore(%run_scoped3A : memref<!tpu.dma_semaphore, #tpu.memory_space<semaphore_mem>>) src(%dma_wait3A_60 : memref<128x128xf32, #tpu.memory_space<vmem_shared>>) dst(%dma_wait3A_58 : memref<128x128xf32, #tpu.memory_space<hbm>>)
      tpu.yield
    }) : () -> ()
    %add3A_45 = arith.constant 384 : i32
    %add3A_46 = arith.addi %mul3A_15, %add3A_45 : i32
    %add3A_47 = arith.constant 384 : i32
    %add3A_48 = arith.addi %mul3A_15, %add3A_47 : i32
    "tpu.region"() ({
      %run_scoped3A = tpu.sem_alloc : memref<!tpu.dma_semaphore, #tpu.memory_space<semaphore_mem>>
      %dma_start3A = arith.constant 0 : i32
      %dma_start3A_53 = tpu.memref_slice %arg5[%arg0, %add3A_48, %dma_start3A] : memref<2x10240x128xf32, #tpu.memory_space<hbm>> -> memref<1x128x128xf32, #tpu.memory_space<hbm>>
      %dma_start3A_54 = tpu.memref_squeeze %dma_start3A_53 : memref<1x128x128xf32, #tpu.memory_space<hbm>> -> memref<128x128xf32, #tpu.memory_space<hbm>>
      %dma_start3A_55 = arith.constant 0 : i32
      %dma_start3A_56 = tpu.memref_slice %arg9[%add3A_46, %dma_start3A_55] : memref<10240x128xf32, #tpu.memory_space<vmem_shared>> -> memref<128x128xf32, #tpu.memory_space<vmem_shared>>
      tpu.enqueue_dma source(%dma_start3A_56 : memref<128x128xf32, #tpu.memory_space<vmem_shared>>) target(%dma_start3A_54 : memref<128x128xf32, #tpu.memory_space<hbm>>) target_semaphore(%run_scoped3A : memref<!tpu.dma_semaphore, #tpu.memory_space<semaphore_mem>>)
      %dma_wait3A = arith.constant 0 : i32
      %dma_wait3A_57 = tpu.memref_slice %arg5[%arg0, %add3A_48, %dma_wait3A] : memref<2x10240x128xf32, #tpu.memory_space<hbm>> -> memref<1x128x128xf32, #tpu.memory_space<hbm>>
      %dma_wait3A_58 = tpu.memref_squeeze %dma_wait3A_57 : memref<1x128x128xf32, #tpu.memory_space<hbm>> -> memref<128x128xf32, #tpu.memory_space<hbm>>
      %dma_wait3A_59 = arith.constant 0 : i32
      %dma_wait3A_60 = tpu.memref_slice %arg9[%add3A_46, %dma_wait3A_59] : memref<10240x128xf32, #tpu.memory_space<vmem_shared>> -> memref<128x128xf32, #tpu.memory_space<vmem_shared>>
      tpu.wait_dma2 semaphore(%run_scoped3A : memref<!tpu.dma_semaphore, #tpu.memory_space<semaphore_mem>>) src(%dma_wait3A_60 : memref<128x128xf32, #tpu.memory_space<vmem_shared>>) dst(%dma_wait3A_58 : memref<128x128xf32, #tpu.memory_space<hbm>>)
      tpu.yield
    }) : () -> ()
    %add3A_49 = arith.constant 512 : i32
    %add3A_50 = arith.addi %mul3A_15, %add3A_49 : i32
    %add3A_51 = arith.constant 512 : i32
    %add3A_52 = arith.addi %mul3A_15, %add3A_51 : i32
    "tpu.region"() ({
      %run_scoped3A = tpu.sem_alloc : memref<!tpu.dma_semaphore, #tpu.memory_space<semaphore_mem>>
      %dma_start3A = arith.constant 0 : i32
      %dma_start3A_53 = tpu.memref_slice %arg5[%arg0, %add3A_52, %dma_start3A] : memref<2x10240x128xf32, #tpu.memory_space<hbm>> -> memref<1x128x128xf32, #tpu.memory_space<hbm>>
      %dma_start3A_54 = tpu.memref_squeeze %dma_start3A_53 : memref<1x128x128xf32, #tpu.memory_space<hbm>> -> memref<128x128xf32, #tpu.memory_space<hbm>>
      %dma_start3A_55 = arith.constant 0 : i32
      %dma_start3A_56 = tpu.memref_slice %arg9[%add3A_50, %dma_start3A_55] : memref<10240x128xf32, #tpu.memory_space<vmem_shared>> -> memref<128x128xf32, #tpu.memory_space<vmem_shared>>
      tpu.enqueue_dma source(%dma_start3A_56 : memref<128x128xf32, #tpu.memory_space<vmem_shared>>) target(%dma_start3A_54 : memref<128x128xf32, #tpu.memory_space<hbm>>) target_semaphore(%run_scoped3A : memref<!tpu.dma_semaphore, #tpu.memory_space<semaphore_mem>>)
      %dma_wait3A = arith.constant 0 : i32
      %dma_wait3A_57 = tpu.memref_slice %arg5[%arg0, %add3A_52, %dma_wait3A] : memref<2x10240x128xf32, #tpu.memory_space<hbm>> -> memref<1x128x128xf32, #tpu.memory_space<hbm>>
      %dma_wait3A_58 = tpu.memref_squeeze %dma_wait3A_57 : memref<1x128x128xf32, #tpu.memory_space<hbm>> -> memref<128x128xf32, #tpu.memory_space<hbm>>
      %dma_wait3A_59 = arith.constant 0 : i32
      %dma_wait3A_60 = tpu.memref_slice %arg9[%add3A_50, %dma_wait3A_59] : memref<10240x128xf32, #tpu.memory_space<vmem_shared>> -> memref<128x128xf32, #tpu.memory_space<vmem_shared>>
      tpu.wait_dma2 semaphore(%run_scoped3A : memref<!tpu.dma_semaphore, #tpu.memory_space<semaphore_mem>>) src(%dma_wait3A_60 : memref<128x128xf32, #tpu.memory_space<vmem_shared>>) dst(%dma_wait3A_58 : memref<128x128xf32, #tpu.memory_space<hbm>>)
      tpu.yield
    }) : () -> ()
    return
  }
}

#map = affine_map<(d0, d1) -> (0, 0)>
module attributes {stable_mosaic.version = 14 : i64} {
  func.func @_deg_kernel(%arg0: i32, %arg1: i32, %arg2: memref<2560x128xi32, #tpu.memory_space<hbm>>, %arg3: memref<2x10240xf32, #tpu.memory_space<hbm>>, %arg4: memref<40x128xi32, #tpu.memory_space<vmem>>, %arg5: memref<128xf32, #tpu.memory_space<vmem>>, %arg6: memref<640xf32, #tpu.memory_space<vmem>>, %arg7: memref<10240xf32, #tpu.memory_space<vmem_shared>>) attributes {dimension_semantics = [#tpu.dimension_semantics<core_parallel>, #tpu.dimension_semantics<subcore_parallel>], iteration_bounds = array<i64: 2, 16>, scalar_prefetch = 0 : i64, scratch_operands = 4 : i64, tpu.core_type = #tpu.core_type<sc_vector_subcore>, window_params = [{transform_indices = #map}, {transform_indices = #map}]} {
    %eq3A = arith.constant 0 : i32
    %eq3A_0 = arith.cmpi eq, %arg0, %eq3A : i32
    %mul3A = arith.constant 120 : i32
    %mul3A_1 = arith.muli %arg1, %mul3A : i32
    %mul3A_2 = arith.constant 40 : i32
    %mul3A_3 = arith.muli %arg1, %mul3A_2 : i32
    %add3A = arith.constant 1920 : i32
    %add3A_4 = arith.addi %add3A, %mul3A_3 : i32
    %select_n3A = arith.select %eq3A_0, %mul3A_1, %add3A_4 : i32
    %eq3A_5 = arith.constant 0 : i32
    %eq3A_6 = arith.cmpi eq, %arg0, %eq3A_5 : i32
    %jit3A = arith.constant 3 : i32
    %jit3A_7 = arith.constant 1 : i32
    %select_n3A_8 = arith.select %eq3A_6, %jit3A, %jit3A_7 : i32
    %broadcast_in_dim3A = arith.constant 1.000000e+00 : f32
    %broadcast_in_dim3A_9 = vector.broadcast %broadcast_in_dim3A : f32 to vector<16xf32>
    %swap3A = arith.constant 0 : index
    %swap3A_10 = tpu.vector_load %arg5[%swap3A] {strides = array<i32>} : memref<128xf32, #tpu.memory_space<vmem>>, vector<16xf32>,
    %swap3A_11 = vector.shape_cast %swap3A_10 : vector<16xf32> to vector<16xf32>
    %swap3A_12 = vector.shape_cast %broadcast_in_dim3A_9 : vector<16xf32> to vector<16xf32>
    tpu.vector_store %arg5[%swap3A], %swap3A_12 {strides = array<i32>} : memref<128xf32, #tpu.memory_space<vmem>>, vector<16xf32>,
    %broadcast_in_dim3A_13 = arith.constant 1.000000e+00 : f32
    %broadcast_in_dim3A_14 = vector.broadcast %broadcast_in_dim3A_13 : f32 to vector<16xf32>
    %swap3A_15 = arith.constant 16 : index
    %swap3A_16 = tpu.vector_load %arg5[%swap3A_15] {strides = array<i32>} : memref<128xf32, #tpu.memory_space<vmem>>, vector<16xf32>,
    %swap3A_17 = vector.shape_cast %swap3A_16 : vector<16xf32> to vector<16xf32>
    %swap3A_18 = vector.shape_cast %broadcast_in_dim3A_14 : vector<16xf32> to vector<16xf32>
    tpu.vector_store %arg5[%swap3A_15], %swap3A_18 {strides = array<i32>} : memref<128xf32, #tpu.memory_space<vmem>>, vector<16xf32>,
    %broadcast_in_dim3A_19 = arith.constant 1.000000e+00 : f32
    %broadcast_in_dim3A_20 = vector.broadcast %broadcast_in_dim3A_19 : f32 to vector<16xf32>
    %swap3A_21 = arith.constant 32 : index
    %swap3A_22 = tpu.vector_load %arg5[%swap3A_21] {strides = array<i32>} : memref<128xf32, #tpu.memory_space<vmem>>, vector<16xf32>,
    %swap3A_23 = vector.shape_cast %swap3A_22 : vector<16xf32> to vector<16xf32>
    %swap3A_24 = vector.shape_cast %broadcast_in_dim3A_20 : vector<16xf32> to vector<16xf32>
    tpu.vector_store %arg5[%swap3A_21], %swap3A_24 {strides = array<i32>} : memref<128xf32, #tpu.memory_space<vmem>>, vector<16xf32>,
    %broadcast_in_dim3A_25 = arith.constant 1.000000e+00 : f32
    %broadcast_in_dim3A_26 = vector.broadcast %broadcast_in_dim3A_25 : f32 to vector<16xf32>
    %swap3A_27 = arith.constant 48 : index
    %swap3A_28 = tpu.vector_load %arg5[%swap3A_27] {strides = array<i32>} : memref<128xf32, #tpu.memory_space<vmem>>, vector<16xf32>,
    %swap3A_29 = vector.shape_cast %swap3A_28 : vector<16xf32> to vector<16xf32>
    %swap3A_30 = vector.shape_cast %broadcast_in_dim3A_26 : vector<16xf32> to vector<16xf32>
    tpu.vector_store %arg5[%swap3A_27], %swap3A_30 {strides = array<i32>} : memref<128xf32, #tpu.memory_space<vmem>>, vector<16xf32>,
    %broadcast_in_dim3A_31 = arith.constant 1.000000e+00 : f32
    %broadcast_in_dim3A_32 = vector.broadcast %broadcast_in_dim3A_31 : f32 to vector<16xf32>
    %swap3A_33 = arith.constant 64 : index
    %swap3A_34 = tpu.vector_load %arg5[%swap3A_33] {strides = array<i32>} : memref<128xf32, #tpu.memory_space<vmem>>, vector<16xf32>,
    %swap3A_35 = vector.shape_cast %swap3A_34 : vector<16xf32> to vector<16xf32>
    %swap3A_36 = vector.shape_cast %broadcast_in_dim3A_32 : vector<16xf32> to vector<16xf32>
    tpu.vector_store %arg5[%swap3A_33], %swap3A_36 {strides = array<i32>} : memref<128xf32, #tpu.memory_space<vmem>>, vector<16xf32>,
    %broadcast_in_dim3A_37 = arith.constant 1.000000e+00 : f32
    %broadcast_in_dim3A_38 = vector.broadcast %broadcast_in_dim3A_37 : f32 to vector<16xf32>
    %swap3A_39 = arith.constant 80 : index
    %swap3A_40 = tpu.vector_load %arg5[%swap3A_39] {strides = array<i32>} : memref<128xf32, #tpu.memory_space<vmem>>, vector<16xf32>,
    %swap3A_41 = vector.shape_cast %swap3A_40 : vector<16xf32> to vector<16xf32>
    %swap3A_42 = vector.shape_cast %broadcast_in_dim3A_38 : vector<16xf32> to vector<16xf32>
    tpu.vector_store %arg5[%swap3A_39], %swap3A_42 {strides = array<i32>} : memref<128xf32, #tpu.memory_space<vmem>>, vector<16xf32>,
    %broadcast_in_dim3A_43 = arith.constant 1.000000e+00 : f32
    %broadcast_in_dim3A_44 = vector.broadcast %broadcast_in_dim3A_43 : f32 to vector<16xf32>
    %swap3A_45 = arith.constant 96 : index
    %swap3A_46 = tpu.vector_load %arg5[%swap3A_45] {strides = array<i32>} : memref<128xf32, #tpu.memory_space<vmem>>, vector<16xf32>,
    %swap3A_47 = vector.shape_cast %swap3A_46 : vector<16xf32> to vector<16xf32>
    %swap3A_48 = vector.shape_cast %broadcast_in_dim3A_44 : vector<16xf32> to vector<16xf32>
    tpu.vector_store %arg5[%swap3A_45], %swap3A_48 {strides = array<i32>} : memref<128xf32, #tpu.memory_space<vmem>>, vector<16xf32>,
    %broadcast_in_dim3A_49 = arith.constant 1.000000e+00 : f32
    %broadcast_in_dim3A_50 = vector.broadcast %broadcast_in_dim3A_49 : f32 to vector<16xf32>
    %swap3A_51 = arith.constant 112 : index
    %swap3A_52 = tpu.vector_load %arg5[%swap3A_51] {strides = array<i32>} : memref<128xf32, #tpu.memory_space<vmem>>, vector<16xf32>,
    %swap3A_53 = vector.shape_cast %swap3A_52 : vector<16xf32> to vector<16xf32>
    %swap3A_54 = vector.shape_cast %broadcast_in_dim3A_50 : vector<16xf32> to vector<16xf32>
    tpu.vector_store %arg5[%swap3A_51], %swap3A_54 {strides = array<i32>} : memref<128xf32, #tpu.memory_space<vmem>>, vector<16xf32>,
    %broadcast_in_dim3A_55 = arith.constant 0.000000e+00 : f32
    %broadcast_in_dim3A_56 = vector.broadcast %broadcast_in_dim3A_55 : f32 to vector<16xf32>
    %swap3A_57 = arith.constant 0 : index
    %swap3A_58 = tpu.vector_load %arg6[%swap3A_57] {strides = array<i32>} : memref<640xf32, #tpu.memory_space<vmem>>, vector<16xf32>,
    %swap3A_59 = vector.shape_cast %swap3A_58 : vector<16xf32> to vector<16xf32>
    %swap3A_60 = vector.shape_cast %broadcast_in_dim3A_56 : vector<16xf32> to vector<16xf32>
    tpu.vector_store %arg6[%swap3A_57], %swap3A_60 {strides = array<i32>} : memref<640xf32, #tpu.memory_space<vmem>>, vector<16xf32>,
    %broadcast_in_dim3A_61 = arith.constant 0.000000e+00 : f32
    %broadcast_in_dim3A_62 = vector.broadcast %broadcast_in_dim3A_61 : f32 to vector<16xf32>
    %swap3A_63 = arith.constant 16 : index
    %swap3A_64 = tpu.vector_load %arg6[%swap3A_63] {strides = array<i32>} : memref<640xf32, #tpu.memory_space<vmem>>, vector<16xf32>,
    %swap3A_65 = vector.shape_cast %swap3A_64 : vector<16xf32> to vector<16xf32>
    %swap3A_66 = vector.shape_cast %broadcast_in_dim3A_62 : vector<16xf32> to vector<16xf32>
    tpu.vector_store %arg6[%swap3A_63], %swap3A_66 {strides = array<i32>} : memref<640xf32, #tpu.memory_space<vmem>>, vector<16xf32>,
    %broadcast_in_dim3A_67 = arith.constant 0.000000e+00 : f32
    %broadcast_in_dim3A_68 = vector.broadcast %broadcast_in_dim3A_67 : f32 to vector<16xf32>
    %swap3A_69 = arith.constant 32 : index
    %swap3A_70 = tpu.vector_load %arg6[%swap3A_69] {strides = array<i32>} : memref<640xf32, #tpu.memory_space<vmem>>, vector<16xf32>,
    %swap3A_71 = vector.shape_cast %swap3A_70 : vector<16xf32> to vector<16xf32>
    %swap3A_72 = vector.shape_cast %broadcast_in_dim3A_68 : vector<16xf32> to vector<16xf32>
    tpu.vector_store %arg6[%swap3A_69], %swap3A_72 {strides = array<i32>} : memref<640xf32, #tpu.memory_space<vmem>>, vector<16xf32>,
    %broadcast_in_dim3A_73 = arith.constant 0.000000e+00 : f32
    %broadcast_in_dim3A_74 = vector.broadcast %broadcast_in_dim3A_73 : f32 to vector<16xf32>
    %swap3A_75 = arith.constant 48 : index
    %swap3A_76 = tpu.vector_load %arg6[%swap3A_75] {strides = array<i32>} : memref<640xf32, #tpu.memory_space<vmem>>, vector<16xf32>,
    %swap3A_77 = vector.shape_cast %swap3A_76 : vector<16xf32> to vector<16xf32>
    %swap3A_78 = vector.shape_cast %broadcast_in_dim3A_74 : vector<16xf32> to vector<16xf32>
    tpu.vector_store %arg6[%swap3A_75], %swap3A_78 {strides = array<i32>} : memref<640xf32, #tpu.memory_space<vmem>>, vector<16xf32>,
    %broadcast_in_dim3A_79 = arith.constant 0.000000e+00 : f32
    %broadcast_in_dim3A_80 = vector.broadcast %broadcast_in_dim3A_79 : f32 to vector<16xf32>
    %swap3A_81 = arith.constant 64 : index
    %swap3A_82 = tpu.vector_load %arg6[%swap3A_81] {strides = array<i32>} : memref<640xf32, #tpu.memory_space<vmem>>, vector<16xf32>,
    %swap3A_83 = vector.shape_cast %swap3A_82 : vector<16xf32> to vector<16xf32>
    %swap3A_84 = vector.shape_cast %broadcast_in_dim3A_80 : vector<16xf32> to vector<16xf32>
    tpu.vector_store %arg6[%swap3A_81], %swap3A_84 {strides = array<i32>} : memref<640xf32, #tpu.memory_space<vmem>>, vector<16xf32>,
    %broadcast_in_dim3A_85 = arith.constant 0.000000e+00 : f32
    %broadcast_in_dim3A_86 = vector.broadcast %broadcast_in_dim3A_85 : f32 to vector<16xf32>
    %swap3A_87 = arith.constant 80 : index
    %swap3A_88 = tpu.vector_load %arg6[%swap3A_87] {strides = array<i32>} : memref<640xf32, #tpu.memory_space<vmem>>, vector<16xf32>,
    %swap3A_89 = vector.shape_cast %swap3A_88 : vector<16xf32> to vector<16xf32>
    %swap3A_90 = vector.shape_cast %broadcast_in_dim3A_86 : vector<16xf32> to vector<16xf32>
    tpu.vector_store %arg6[%swap3A_87], %swap3A_90 {strides = array<i32>} : memref<640xf32, #tpu.memory_space<vmem>>, vector<16xf32>,
    %broadcast_in_dim3A_91 = arith.constant 0.000000e+00 : f32
    %broadcast_in_dim3A_92 = vector.broadcast %broadcast_in_dim3A_91 : f32 to vector<16xf32>
    %swap3A_93 = arith.constant 96 : index
    %swap3A_94 = tpu.vector_load %arg6[%swap3A_93] {strides = array<i32>} : memref<640xf32, #tpu.memory_space<vmem>>, vector<16xf32>,
    %swap3A_95 = vector.shape_cast %swap3A_94 : vector<16xf32> to vector<16xf32>
    %swap3A_96 = vector.shape_cast %broadcast_in_dim3A_92 : vector<16xf32> to vector<16xf32>
    tpu.vector_store %arg6[%swap3A_93], %swap3A_96 {strides = array<i32>} : memref<640xf32, #tpu.memory_space<vmem>>, vector<16xf32>,
    %broadcast_in_dim3A_97 = arith.constant 0.000000e+00 : f32
    %broadcast_in_dim3A_98 = vector.broadcast %broadcast_in_dim3A_97 : f32 to vector<16xf32>
    %swap3A_99 = arith.constant 112 : index
    %swap3A_100 = tpu.vector_load %arg6[%swap3A_99] {strides = array<i32>} : memref<640xf32, #tpu.memory_space<vmem>>, vector<16xf32>,
    %swap3A_101 = vector.shape_cast %swap3A_100 : vector<16xf32> to vector<16xf32>
    %swap3A_102 = vector.shape_cast %broadcast_in_dim3A_98 : vector<16xf32> to vector<16xf32>
    tpu.vector_store %arg6[%swap3A_99], %swap3A_102 {strides = array<i32>} : memref<640xf32, #tpu.memory_space<vmem>>, vector<16xf32>,
    %broadcast_in_dim3A_103 = arith.constant 0.000000e+00 : f32
    %broadcast_in_dim3A_104 = vector.broadcast %broadcast_in_dim3A_103 : f32 to vector<16xf32>
    %swap3A_105 = arith.constant 128 : index
    %swap3A_106 = tpu.vector_load %arg6[%swap3A_105] {strides = array<i32>} : memref<640xf32, #tpu.memory_space<vmem>>, vector<16xf32>,
    %swap3A_107 = vector.shape_cast %swap3A_106 : vector<16xf32> to vector<16xf32>
    %swap3A_108 = vector.shape_cast %broadcast_in_dim3A_104 : vector<16xf32> to vector<16xf32>
    tpu.vector_store %arg6[%swap3A_105], %swap3A_108 {strides = array<i32>} : memref<640xf32, #tpu.memory_space<vmem>>, vector<16xf32>,
    %broadcast_in_dim3A_109 = arith.constant 0.000000e+00 : f32
    %broadcast_in_dim3A_110 = vector.broadcast %broadcast_in_dim3A_109 : f32 to vector<16xf32>
    %swap3A_111 = arith.constant 144 : index
    %swap3A_112 = tpu.vector_load %arg6[%swap3A_111] {strides = array<i32>} : memref<640xf32, #tpu.memory_space<vmem>>, vector<16xf32>,
    %swap3A_113 = vector.shape_cast %swap3A_112 : vector<16xf32> to vector<16xf32>
    %swap3A_114 = vector.shape_cast %broadcast_in_dim3A_110 : vector<16xf32> to vector<16xf32>
    tpu.vector_store %arg6[%swap3A_111], %swap3A_114 {strides = array<i32>} : memref<640xf32, #tpu.memory_space<vmem>>, vector<16xf32>,
    %broadcast_in_dim3A_115 = arith.constant 0.000000e+00 : f32
    %broadcast_in_dim3A_116 = vector.broadcast %broadcast_in_dim3A_115 : f32 to vector<16xf32>
    %swap3A_117 = arith.constant 160 : index
    %swap3A_118 = tpu.vector_load %arg6[%swap3A_117] {strides = array<i32>} : memref<640xf32, #tpu.memory_space<vmem>>, vector<16xf32>,
    %swap3A_119 = vector.shape_cast %swap3A_118 : vector<16xf32> to vector<16xf32>
    %swap3A_120 = vector.shape_cast %broadcast_in_dim3A_116 : vector<16xf32> to vector<16xf32>
    tpu.vector_store %arg6[%swap3A_117], %swap3A_120 {strides = array<i32>} : memref<640xf32, #tpu.memory_space<vmem>>, vector<16xf32>,
    %broadcast_in_dim3A_121 = arith.constant 0.000000e+00 : f32
    %broadcast_in_dim3A_122 = vector.broadcast %broadcast_in_dim3A_121 : f32 to vector<16xf32>
    %swap3A_123 = arith.constant 176 : index
    %swap3A_124 = tpu.vector_load %arg6[%swap3A_123] {strides = array<i32>} : memref<640xf32, #tpu.memory_space<vmem>>, vector<16xf32>,
    %swap3A_125 = vector.shape_cast %swap3A_124 : vector<16xf32> to vector<16xf32>
    %swap3A_126 = vector.shape_cast %broadcast_in_dim3A_122 : vector<16xf32> to vector<16xf32>
    tpu.vector_store %arg6[%swap3A_123], %swap3A_126 {strides = array<i32>} : memref<640xf32, #tpu.memory_space<vmem>>, vector<16xf32>,
    %broadcast_in_dim3A_127 = arith.constant 0.000000e+00 : f32
    %broadcast_in_dim3A_128 = vector.broadcast %broadcast_in_dim3A_127 : f32 to vector<16xf32>
    %swap3A_129 = arith.constant 192 : index
    %swap3A_130 = tpu.vector_load %arg6[%swap3A_129] {strides = array<i32>} : memref<640xf32, #tpu.memory_space<vmem>>, vector<16xf32>,
    %swap3A_131 = vector.shape_cast %swap3A_130 : vector<16xf32> to vector<16xf32>
    %swap3A_132 = vector.shape_cast %broadcast_in_dim3A_128 : vector<16xf32> to vector<16xf32>
    tpu.vector_store %arg6[%swap3A_129], %swap3A_132 {strides = array<i32>} : memref<640xf32, #tpu.memory_space<vmem>>, vector<16xf32>,
    %broadcast_in_dim3A_133 = arith.constant 0.000000e+00 : f32
    %broadcast_in_dim3A_134 = vector.broadcast %broadcast_in_dim3A_133 : f32 to vector<16xf32>
    %swap3A_135 = arith.constant 208 : index
    %swap3A_136 = tpu.vector_load %arg6[%swap3A_135] {strides = array<i32>} : memref<640xf32, #tpu.memory_space<vmem>>, vector<16xf32>,
    %swap3A_137 = vector.shape_cast %swap3A_136 : vector<16xf32> to vector<16xf32>
    %swap3A_138 = vector.shape_cast %broadcast_in_dim3A_134 : vector<16xf32> to vector<16xf32>
    tpu.vector_store %arg6[%swap3A_135], %swap3A_138 {strides = array<i32>} : memref<640xf32, #tpu.memory_space<vmem>>, vector<16xf32>,
    %broadcast_in_dim3A_139 = arith.constant 0.000000e+00 : f32
    %broadcast_in_dim3A_140 = vector.broadcast %broadcast_in_dim3A_139 : f32 to vector<16xf32>
    %swap3A_141 = arith.constant 224 : index
    %swap3A_142 = tpu.vector_load %arg6[%swap3A_141] {strides = array<i32>} : memref<640xf32, #tpu.memory_space<vmem>>, vector<16xf32>,
    %swap3A_143 = vector.shape_cast %swap3A_142 : vector<16xf32> to vector<16xf32>
    %swap3A_144 = vector.shape_cast %broadcast_in_dim3A_140 : vector<16xf32> to vector<16xf32>
    tpu.vector_store %arg6[%swap3A_141], %swap3A_144 {strides = array<i32>} : memref<640xf32, #tpu.memory_space<vmem>>, vector<16xf32>,
    %broadcast_in_dim3A_145 = arith.constant 0.000000e+00 : f32
    %broadcast_in_dim3A_146 = vector.broadcast %broadcast_in_dim3A_145 : f32 to vector<16xf32>
    %swap3A_147 = arith.constant 240 : index
    %swap3A_148 = tpu.vector_load %arg6[%swap3A_147] {strides = array<i32>} : memref<640xf32, #tpu.memory_space<vmem>>, vector<16xf32>,
    %swap3A_149 = vector.shape_cast %swap3A_148 : vector<16xf32> to vector<16xf32>
    %swap3A_150 = vector.shape_cast %broadcast_in_dim3A_146 : vector<16xf32> to vector<16xf32>
    tpu.vector_store %arg6[%swap3A_147], %swap3A_150 {strides = array<i32>} : memref<640xf32, #tpu.memory_space<vmem>>, vector<16xf32>,
    %broadcast_in_dim3A_151 = arith.constant 0.000000e+00 : f32
    %broadcast_in_dim3A_152 = vector.broadcast %broadcast_in_dim3A_151 : f32 to vector<16xf32>
    %swap3A_153 = arith.constant 256 : index
    %swap3A_154 = tpu.vector_load %arg6[%swap3A_153] {strides = array<i32>} : memref<640xf32, #tpu.memory_space<vmem>>, vector<16xf32>,
    %swap3A_155 = vector.shape_cast %swap3A_154 : vector<16xf32> to vector<16xf32>
    %swap3A_156 = vector.shape_cast %broadcast_in_dim3A_152 : vector<16xf32> to vector<16xf32>
    tpu.vector_store %arg6[%swap3A_153], %swap3A_156 {strides = array<i32>} : memref<640xf32, #tpu.memory_space<vmem>>, vector<16xf32>,
    %broadcast_in_dim3A_157 = arith.constant 0.000000e+00 : f32
    %broadcast_in_dim3A_158 = vector.broadcast %broadcast_in_dim3A_157 : f32 to vector<16xf32>
    %swap3A_159 = arith.constant 272 : index
    %swap3A_160 = tpu.vector_load %arg6[%swap3A_159] {strides = array<i32>} : memref<640xf32, #tpu.memory_space<vmem>>, vector<16xf32>,
    %swap3A_161 = vector.shape_cast %swap3A_160 : vector<16xf32> to vector<16xf32>
    %swap3A_162 = vector.shape_cast %broadcast_in_dim3A_158 : vector<16xf32> to vector<16xf32>
    tpu.vector_store %arg6[%swap3A_159], %swap3A_162 {strides = array<i32>} : memref<640xf32, #tpu.memory_space<vmem>>, vector<16xf32>,
    %broadcast_in_dim3A_163 = arith.constant 0.000000e+00 : f32
    %broadcast_in_dim3A_164 = vector.broadcast %broadcast_in_dim3A_163 : f32 to vector<16xf32>
    %swap3A_165 = arith.constant 288 : index
    %swap3A_166 = tpu.vector_load %arg6[%swap3A_165] {strides = array<i32>} : memref<640xf32, #tpu.memory_space<vmem>>, vector<16xf32>,
    %swap3A_167 = vector.shape_cast %swap3A_166 : vector<16xf32> to vector<16xf32>
    %swap3A_168 = vector.shape_cast %broadcast_in_dim3A_164 : vector<16xf32> to vector<16xf32>
    tpu.vector_store %arg6[%swap3A_165], %swap3A_168 {strides = array<i32>} : memref<640xf32, #tpu.memory_space<vmem>>, vector<16xf32>,
    %broadcast_in_dim3A_169 = arith.constant 0.000000e+00 : f32
    %broadcast_in_dim3A_170 = vector.broadcast %broadcast_in_dim3A_169 : f32 to vector<16xf32>
    %swap3A_171 = arith.constant 304 : index
    %swap3A_172 = tpu.vector_load %arg6[%swap3A_171] {strides = array<i32>} : memref<640xf32, #tpu.memory_space<vmem>>, vector<16xf32>,
    %swap3A_173 = vector.shape_cast %swap3A_172 : vector<16xf32> to vector<16xf32>
    %swap3A_174 = vector.shape_cast %broadcast_in_dim3A_170 : vector<16xf32> to vector<16xf32>
    tpu.vector_store %arg6[%swap3A_171], %swap3A_174 {strides = array<i32>} : memref<640xf32, #tpu.memory_space<vmem>>, vector<16xf32>,
    %broadcast_in_dim3A_175 = arith.constant 0.000000e+00 : f32
    %broadcast_in_dim3A_176 = vector.broadcast %broadcast_in_dim3A_175 : f32 to vector<16xf32>
    %swap3A_177 = arith.constant 320 : index
    %swap3A_178 = tpu.vector_load %arg6[%swap3A_177] {strides = array<i32>} : memref<640xf32, #tpu.memory_space<vmem>>, vector<16xf32>,
    %swap3A_179 = vector.shape_cast %swap3A_178 : vector<16xf32> to vector<16xf32>
    %swap3A_180 = vector.shape_cast %broadcast_in_dim3A_176 : vector<16xf32> to vector<16xf32>
    tpu.vector_store %arg6[%swap3A_177], %swap3A_180 {strides = array<i32>} : memref<640xf32, #tpu.memory_space<vmem>>, vector<16xf32>,
    %broadcast_in_dim3A_181 = arith.constant 0.000000e+00 : f32
    %broadcast_in_dim3A_182 = vector.broadcast %broadcast_in_dim3A_181 : f32 to vector<16xf32>
    %swap3A_183 = arith.constant 336 : index
    %swap3A_184 = tpu.vector_load %arg6[%swap3A_183] {strides = array<i32>} : memref<640xf32, #tpu.memory_space<vmem>>, vector<16xf32>,
    %swap3A_185 = vector.shape_cast %swap3A_184 : vector<16xf32> to vector<16xf32>
    %swap3A_186 = vector.shape_cast %broadcast_in_dim3A_182 : vector<16xf32> to vector<16xf32>
    tpu.vector_store %arg6[%swap3A_183], %swap3A_186 {strides = array<i32>} : memref<640xf32, #tpu.memory_space<vmem>>, vector<16xf32>,
    %broadcast_in_dim3A_187 = arith.constant 0.000000e+00 : f32
    %broadcast_in_dim3A_188 = vector.broadcast %broadcast_in_dim3A_187 : f32 to vector<16xf32>
    %swap3A_189 = arith.constant 352 : index
    %swap3A_190 = tpu.vector_load %arg6[%swap3A_189] {strides = array<i32>} : memref<640xf32, #tpu.memory_space<vmem>>, vector<16xf32>,
    %swap3A_191 = vector.shape_cast %swap3A_190 : vector<16xf32> to vector<16xf32>
    %swap3A_192 = vector.shape_cast %broadcast_in_dim3A_188 : vector<16xf32> to vector<16xf32>
    tpu.vector_store %arg6[%swap3A_189], %swap3A_192 {strides = array<i32>} : memref<640xf32, #tpu.memory_space<vmem>>, vector<16xf32>,
    %broadcast_in_dim3A_193 = arith.constant 0.000000e+00 : f32
    %broadcast_in_dim3A_194 = vector.broadcast %broadcast_in_dim3A_193 : f32 to vector<16xf32>
    %swap3A_195 = arith.constant 368 : index
    %swap3A_196 = tpu.vector_load %arg6[%swap3A_195] {strides = array<i32>} : memref<640xf32, #tpu.memory_space<vmem>>, vector<16xf32>,
    %swap3A_197 = vector.shape_cast %swap3A_196 : vector<16xf32> to vector<16xf32>
    %swap3A_198 = vector.shape_cast %broadcast_in_dim3A_194 : vector<16xf32> to vector<16xf32>
    tpu.vector_store %arg6[%swap3A_195], %swap3A_198 {strides = array<i32>} : memref<640xf32, #tpu.memory_space<vmem>>, vector<16xf32>,
    %broadcast_in_dim3A_199 = arith.constant 0.000000e+00 : f32
    %broadcast_in_dim3A_200 = vector.broadcast %broadcast_in_dim3A_199 : f32 to vector<16xf32>
    %swap3A_201 = arith.constant 384 : index
    %swap3A_202 = tpu.vector_load %arg6[%swap3A_201] {strides = array<i32>} : memref<640xf32, #tpu.memory_space<vmem>>, vector<16xf32>,
    %swap3A_203 = vector.shape_cast %swap3A_202 : vector<16xf32> to vector<16xf32>
    %swap3A_204 = vector.shape_cast %broadcast_in_dim3A_200 : vector<16xf32> to vector<16xf32>
    tpu.vector_store %arg6[%swap3A_201], %swap3A_204 {strides = array<i32>} : memref<640xf32, #tpu.memory_space<vmem>>, vector<16xf32>,
    %broadcast_in_dim3A_205 = arith.constant 0.000000e+00 : f32
    %broadcast_in_dim3A_206 = vector.broadcast %broadcast_in_dim3A_205 : f32 to vector<16xf32>
    %swap3A_207 = arith.constant 400 : index
    %swap3A_208 = tpu.vector_load %arg6[%swap3A_207] {strides = array<i32>} : memref<640xf32, #tpu.memory_space<vmem>>, vector<16xf32>,
    %swap3A_209 = vector.shape_cast %swap3A_208 : vector<16xf32> to vector<16xf32>
    %swap3A_210 = vector.shape_cast %broadcast_in_dim3A_206 : vector<16xf32> to vector<16xf32>
    tpu.vector_store %arg6[%swap3A_207], %swap3A_210 {strides = array<i32>} : memref<640xf32, #tpu.memory_space<vmem>>, vector<16xf32>,
    %broadcast_in_dim3A_211 = arith.constant 0.000000e+00 : f32
    %broadcast_in_dim3A_212 = vector.broadcast %broadcast_in_dim3A_211 : f32 to vector<16xf32>
    %swap3A_213 = arith.constant 416 : index
    %swap3A_214 = tpu.vector_load %arg6[%swap3A_213] {strides = array<i32>} : memref<640xf32, #tpu.memory_space<vmem>>, vector<16xf32>,
    %swap3A_215 = vector.shape_cast %swap3A_214 : vector<16xf32> to vector<16xf32>
    %swap3A_216 = vector.shape_cast %broadcast_in_dim3A_212 : vector<16xf32> to vector<16xf32>
    tpu.vector_store %arg6[%swap3A_213], %swap3A_216 {strides = array<i32>} : memref<640xf32, #tpu.memory_space<vmem>>, vector<16xf32>,
    %broadcast_in_dim3A_217 = arith.constant 0.000000e+00 : f32
    %broadcast_in_dim3A_218 = vector.broadcast %broadcast_in_dim3A_217 : f32 to vector<16xf32>
    %swap3A_219 = arith.constant 432 : index
    %swap3A_220 = tpu.vector_load %arg6[%swap3A_219] {strides = array<i32>} : memref<640xf32, #tpu.memory_space<vmem>>, vector<16xf32>,
    %swap3A_221 = vector.shape_cast %swap3A_220 : vector<16xf32> to vector<16xf32>
    %swap3A_222 = vector.shape_cast %broadcast_in_dim3A_218 : vector<16xf32> to vector<16xf32>
    tpu.vector_store %arg6[%swap3A_219], %swap3A_222 {strides = array<i32>} : memref<640xf32, #tpu.memory_space<vmem>>, vector<16xf32>,
    %broadcast_in_dim3A_223 = arith.constant 0.000000e+00 : f32
    %broadcast_in_dim3A_224 = vector.broadcast %broadcast_in_dim3A_223 : f32 to vector<16xf32>
    %swap3A_225 = arith.constant 448 : index
    %swap3A_226 = tpu.vector_load %arg6[%swap3A_225] {strides = array<i32>} : memref<640xf32, #tpu.memory_space<vmem>>, vector<16xf32>,
    %swap3A_227 = vector.shape_cast %swap3A_226 : vector<16xf32> to vector<16xf32>
    %swap3A_228 = vector.shape_cast %broadcast_in_dim3A_224 : vector<16xf32> to vector<16xf32>
    tpu.vector_store %arg6[%swap3A_225], %swap3A_228 {strides = array<i32>} : memref<640xf32, #tpu.memory_space<vmem>>, vector<16xf32>,
    %broadcast_in_dim3A_229 = arith.constant 0.000000e+00 : f32
    %broadcast_in_dim3A_230 = vector.broadcast %broadcast_in_dim3A_229 : f32 to vector<16xf32>
    %swap3A_231 = arith.constant 464 : index
    %swap3A_232 = tpu.vector_load %arg6[%swap3A_231] {strides = array<i32>} : memref<640xf32, #tpu.memory_space<vmem>>, vector<16xf32>,
    %swap3A_233 = vector.shape_cast %swap3A_232 : vector<16xf32> to vector<16xf32>
    %swap3A_234 = vector.shape_cast %broadcast_in_dim3A_230 : vector<16xf32> to vector<16xf32>
    tpu.vector_store %arg6[%swap3A_231], %swap3A_234 {strides = array<i32>} : memref<640xf32, #tpu.memory_space<vmem>>, vector<16xf32>,
    %broadcast_in_dim3A_235 = arith.constant 0.000000e+00 : f32
    %broadcast_in_dim3A_236 = vector.broadcast %broadcast_in_dim3A_235 : f32 to vector<16xf32>
    %swap3A_237 = arith.constant 480 : index
    %swap3A_238 = tpu.vector_load %arg6[%swap3A_237] {strides = array<i32>} : memref<640xf32, #tpu.memory_space<vmem>>, vector<16xf32>,
    %swap3A_239 = vector.shape_cast %swap3A_238 : vector<16xf32> to vector<16xf32>
    %swap3A_240 = vector.shape_cast %broadcast_in_dim3A_236 : vector<16xf32> to vector<16xf32>
    tpu.vector_store %arg6[%swap3A_237], %swap3A_240 {strides = array<i32>} : memref<640xf32, #tpu.memory_space<vmem>>, vector<16xf32>,
    %broadcast_in_dim3A_241 = arith.constant 0.000000e+00 : f32
    %broadcast_in_dim3A_242 = vector.broadcast %broadcast_in_dim3A_241 : f32 to vector<16xf32>
    %swap3A_243 = arith.constant 496 : index
    %swap3A_244 = tpu.vector_load %arg6[%swap3A_243] {strides = array<i32>} : memref<640xf32, #tpu.memory_space<vmem>>, vector<16xf32>,
    %swap3A_245 = vector.shape_cast %swap3A_244 : vector<16xf32> to vector<16xf32>
    %swap3A_246 = vector.shape_cast %broadcast_in_dim3A_242 : vector<16xf32> to vector<16xf32>
    tpu.vector_store %arg6[%swap3A_243], %swap3A_246 {strides = array<i32>} : memref<640xf32, #tpu.memory_space<vmem>>, vector<16xf32>,
    %broadcast_in_dim3A_247 = arith.constant 0.000000e+00 : f32
    %broadcast_in_dim3A_248 = vector.broadcast %broadcast_in_dim3A_247 : f32 to vector<16xf32>
    %swap3A_249 = arith.constant 512 : index
    %swap3A_250 = tpu.vector_load %arg6[%swap3A_249] {strides = array<i32>} : memref<640xf32, #tpu.memory_space<vmem>>, vector<16xf32>,
    %swap3A_251 = vector.shape_cast %swap3A_250 : vector<16xf32> to vector<16xf32>
    %swap3A_252 = vector.shape_cast %broadcast_in_dim3A_248 : vector<16xf32> to vector<16xf32>
    tpu.vector_store %arg6[%swap3A_249], %swap3A_252 {strides = array<i32>} : memref<640xf32, #tpu.memory_space<vmem>>, vector<16xf32>,
    %broadcast_in_dim3A_253 = arith.constant 0.000000e+00 : f32
    %broadcast_in_dim3A_254 = vector.broadcast %broadcast_in_dim3A_253 : f32 to vector<16xf32>
    %swap3A_255 = arith.constant 528 : index
    %swap3A_256 = tpu.vector_load %arg6[%swap3A_255] {strides = array<i32>} : memref<640xf32, #tpu.memory_space<vmem>>, vector<16xf32>,
    %swap3A_257 = vector.shape_cast %swap3A_256 : vector<16xf32> to vector<16xf32>
    %swap3A_258 = vector.shape_cast %broadcast_in_dim3A_254 : vector<16xf32> to vector<16xf32>
    tpu.vector_store %arg6[%swap3A_255], %swap3A_258 {strides = array<i32>} : memref<640xf32, #tpu.memory_space<vmem>>, vector<16xf32>,
    %broadcast_in_dim3A_259 = arith.constant 0.000000e+00 : f32
    %broadcast_in_dim3A_260 = vector.broadcast %broadcast_in_dim3A_259 : f32 to vector<16xf32>
    %swap3A_261 = arith.constant 544 : index
    %swap3A_262 = tpu.vector_load %arg6[%swap3A_261] {strides = array<i32>} : memref<640xf32, #tpu.memory_space<vmem>>, vector<16xf32>,
    %swap3A_263 = vector.shape_cast %swap3A_262 : vector<16xf32> to vector<16xf32>
    %swap3A_264 = vector.shape_cast %broadcast_in_dim3A_260 : vector<16xf32> to vector<16xf32>
    tpu.vector_store %arg6[%swap3A_261], %swap3A_264 {strides = array<i32>} : memref<640xf32, #tpu.memory_space<vmem>>, vector<16xf32>,
    %broadcast_in_dim3A_265 = arith.constant 0.000000e+00 : f32
    %broadcast_in_dim3A_266 = vector.broadcast %broadcast_in_dim3A_265 : f32 to vector<16xf32>
    %swap3A_267 = arith.constant 560 : index
    %swap3A_268 = tpu.vector_load %arg6[%swap3A_267] {strides = array<i32>} : memref<640xf32, #tpu.memory_space<vmem>>, vector<16xf32>,
    %swap3A_269 = vector.shape_cast %swap3A_268 : vector<16xf32> to vector<16xf32>
    %swap3A_270 = vector.shape_cast %broadcast_in_dim3A_266 : vector<16xf32> to vector<16xf32>
    tpu.vector_store %arg6[%swap3A_267], %swap3A_270 {strides = array<i32>} : memref<640xf32, #tpu.memory_space<vmem>>, vector<16xf32>,
    %broadcast_in_dim3A_271 = arith.constant 0.000000e+00 : f32
    %broadcast_in_dim3A_272 = vector.broadcast %broadcast_in_dim3A_271 : f32 to vector<16xf32>
    %swap3A_273 = arith.constant 576 : index
    %swap3A_274 = tpu.vector_load %arg6[%swap3A_273] {strides = array<i32>} : memref<640xf32, #tpu.memory_space<vmem>>, vector<16xf32>,
    %swap3A_275 = vector.shape_cast %swap3A_274 : vector<16xf32> to vector<16xf32>
    %swap3A_276 = vector.shape_cast %broadcast_in_dim3A_272 : vector<16xf32> to vector<16xf32>
    tpu.vector_store %arg6[%swap3A_273], %swap3A_276 {strides = array<i32>} : memref<640xf32, #tpu.memory_space<vmem>>, vector<16xf32>,
    %broadcast_in_dim3A_277 = arith.constant 0.000000e+00 : f32
    %broadcast_in_dim3A_278 = vector.broadcast %broadcast_in_dim3A_277 : f32 to vector<16xf32>
    %swap3A_279 = arith.constant 592 : index
    %swap3A_280 = tpu.vector_load %arg6[%swap3A_279] {strides = array<i32>} : memref<640xf32, #tpu.memory_space<vmem>>, vector<16xf32>,
    %swap3A_281 = vector.shape_cast %swap3A_280 : vector<16xf32> to vector<16xf32>
    %swap3A_282 = vector.shape_cast %broadcast_in_dim3A_278 : vector<16xf32> to vector<16xf32>
    tpu.vector_store %arg6[%swap3A_279], %swap3A_282 {strides = array<i32>} : memref<640xf32, #tpu.memory_space<vmem>>, vector<16xf32>,
    %broadcast_in_dim3A_283 = arith.constant 0.000000e+00 : f32
    %broadcast_in_dim3A_284 = vector.broadcast %broadcast_in_dim3A_283 : f32 to vector<16xf32>
    %swap3A_285 = arith.constant 608 : index
    %swap3A_286 = tpu.vector_load %arg6[%swap3A_285] {strides = array<i32>} : memref<640xf32, #tpu.memory_space<vmem>>, vector<16xf32>,
    %swap3A_287 = vector.shape_cast %swap3A_286 : vector<16xf32> to vector<16xf32>
    %swap3A_288 = vector.shape_cast %broadcast_in_dim3A_284 : vector<16xf32> to vector<16xf32>
    tpu.vector_store %arg6[%swap3A_285], %swap3A_288 {strides = array<i32>} : memref<640xf32, #tpu.memory_space<vmem>>, vector<16xf32>,
    %broadcast_in_dim3A_289 = arith.constant 0.000000e+00 : f32
    %broadcast_in_dim3A_290 = vector.broadcast %broadcast_in_dim3A_289 : f32 to vector<16xf32>
    %swap3A_291 = arith.constant 624 : index
    %swap3A_292 = tpu.vector_load %arg6[%swap3A_291] {strides = array<i32>} : memref<640xf32, #tpu.memory_space<vmem>>, vector<16xf32>,
    %swap3A_293 = vector.shape_cast %swap3A_292 : vector<16xf32> to vector<16xf32>
    %swap3A_294 = vector.shape_cast %broadcast_in_dim3A_290 : vector<16xf32> to vector<16xf32>
    tpu.vector_store %arg6[%swap3A_291], %swap3A_294 {strides = array<i32>} : memref<640xf32, #tpu.memory_space<vmem>>, vector<16xf32>,
    %mul3A_295 = arith.constant 640 : i32
    %mul3A_296 = arith.muli %arg1, %mul3A_295 : i32
    "tpu.region"() ({
      %run_scoped3A = tpu.sem_alloc : memref<!tpu.dma_semaphore, #tpu.memory_space<semaphore_mem>>
      %dma_start3A = tpu.memref_slice %arg7[%mul3A_296] : memref<10240xf32, #tpu.memory_space<vmem_shared>> -> memref<640xf32, #tpu.memory_space<vmem_shared>>
      %dma_start3A_311 = tpu.memref_slice %arg7[%mul3A_296] : memref<10240xf32, #tpu.memory_space<vmem_shared>> -> memref<640xf32, #tpu.memory_space<vmem_shared>>
      tpu.enqueue_dma source(%arg6 : memref<640xf32, #tpu.memory_space<vmem>>) target(%dma_start3A_311 : memref<640xf32, #tpu.memory_space<vmem_shared>>) target_semaphore(%run_scoped3A : memref<!tpu.dma_semaphore, #tpu.memory_space<semaphore_mem>>)
      %dma_wait3A = tpu.memref_slice %arg7[%mul3A_296] : memref<10240xf32, #tpu.memory_space<vmem_shared>> -> memref<640xf32, #tpu.memory_space<vmem_shared>>
      %dma_wait3A_312 = tpu.memref_slice %arg7[%mul3A_296] : memref<10240xf32, #tpu.memory_space<vmem_shared>> -> memref<640xf32, #tpu.memory_space<vmem_shared>>
      tpu.wait_dma2 semaphore(%run_scoped3A : memref<!tpu.dma_semaphore, #tpu.memory_space<semaphore_mem>>) src(%arg6 : memref<640xf32, #tpu.memory_space<vmem>>) dst(%dma_wait3A_312 : memref<640xf32, #tpu.memory_space<vmem_shared>>)
      tpu.yield
    }) : () -> ()
    %barrier3A = arith.constant 0 : index
    tpu.barrier barrier_id(%barrier3A)
    %while3A = arith.constant 0 : i32
    %while3A_297 = arith.constant 0 : i32
    %while3A_298 = arith.subi %select_n3A_8, %while3A_297 : i32
    %while3A_299 = arith.addi %while3A_297, %while3A_298 : i32
    %while3A_300 = arith.constant 1 : i32
    %while3A_301 = arith.divsi %while3A_298, %while3A_300 : i32
    %while3A_302 = arith.muli %while3A_301, %while3A_300 : i32
    %while3A_303 = arith.addi %while3A_297, %while3A_302 : i32
    %while3A_304 = arith.constant 1 : i32
    scf.for %while3A_311 = %while3A_297 to %while3A_303 step %while3A_304  : i32 {
      %mul3A_312 = arith.constant 40 : i32
      %mul3A_313 = arith.muli %while3A_311, %mul3A_312 : i32
      %add3A_314 = arith.addi %select_n3A, %mul3A_313 : i32
      "tpu.region"() ({
        %run_scoped3A = tpu.sem_alloc : memref<!tpu.dma_semaphore, #tpu.memory_space<semaphore_mem>>
        %dma_start3A = arith.constant 0 : i32
        %dma_start3A_319 = tpu.memref_slice %arg2[%add3A_314, %dma_start3A] : memref<2560x128xi32, #tpu.memory_space<hbm>> -> memref<40x128xi32, #tpu.memory_space<hbm>>
        %dma_start3A_320 = arith.constant 0 : i32
        %dma_start3A_321 = tpu.memref_slice %arg2[%add3A_314, %dma_start3A_320] : memref<2560x128xi32, #tpu.memory_space<hbm>> -> memref<40x128xi32, #tpu.memory_space<hbm>>
        tpu.enqueue_dma source(%dma_start3A_321 : memref<40x128xi32, #tpu.memory_space<hbm>>) target(%arg4 : memref<40x128xi32, #tpu.memory_space<vmem>>) target_semaphore(%run_scoped3A : memref<!tpu.dma_semaphore, #tpu.memory_space<semaphore_mem>>)
        %dma_wait3A = arith.constant 0 : i32
        %dma_wait3A_322 = tpu.memref_slice %arg2[%add3A_314, %dma_wait3A] : memref<2560x128xi32, #tpu.memory_space<hbm>> -> memref<40x128xi32, #tpu.memory_space<hbm>>
        %dma_wait3A_323 = arith.constant 0 : i32
        %dma_wait3A_324 = tpu.memref_slice %arg2[%add3A_314, %dma_wait3A_323] : memref<2560x128xi32, #tpu.memory_space<hbm>> -> memref<40x128xi32, #tpu.memory_space<hbm>>
        tpu.wait_dma2 semaphore(%run_scoped3A : memref<!tpu.dma_semaphore, #tpu.memory_space<semaphore_mem>>) src(%dma_wait3A_324 : memref<40x128xi32, #tpu.memory_space<hbm>>) dst(%arg4 : memref<40x128xi32, #tpu.memory_space<vmem>>)
        tpu.yield
      }) : () -> ()
      %scan3A = arith.constant 0 : i32
      %scan3A_315 = arith.constant 40 : i32
      %scan3A_316 = arith.addi %scan3A, %scan3A_315 : i32
      %scan3A_317 = arith.constant 1 : i32
      scf.for %scan3A_319 = %scan3A to %scan3A_316 step %scan3A_317  : i32 {
        "tpu.region"() ({
          %run_scoped3A = tpu.sem_alloc : memref<!tpu.dma_semaphore, #tpu.memory_space<semaphore_mem>>
          %dma_start3A = arith.constant 0 : i32
          %dma_start3A_320 = tpu.memref_slice %arg4[%scan3A_319, %dma_start3A] : memref<40x128xi32, #tpu.memory_space<vmem>> -> memref<1x128xi32, #tpu.memory_space<vmem>>
          %dma_start3A_321 = tpu.memref_squeeze %dma_start3A_320 : memref<1x128xi32, #tpu.memory_space<vmem>> -> memref<128xi32, #tpu.memory_space<vmem>>
          %dma_start3A_322 = arith.constant 0 : i32
          %dma_start3A_323 = tpu.memref_slice %arg7[%dma_start3A_322] : memref<10240xf32, #tpu.memory_space<vmem_shared>> -> memref<10240xf32, #tpu.memory_space<vmem_shared>>
          tpu.enqueue_indirect_dma source(%arg5 : memref<128xf32, #tpu.memory_space<vmem>>) target(%dma_start3A_323 : memref<10240xf32, #tpu.memory_space<vmem_shared>>) offsets(%dma_start3A_321 : memref<128xi32, #tpu.memory_space<vmem>>) semaphore(%run_scoped3A : memref<!tpu.dma_semaphore, #tpu.memory_space<semaphore_mem>>) {add = true}
          %dma_wait3A = arith.constant 0 : i32
          %dma_wait3A_324 = tpu.memref_slice %arg4[%scan3A_319, %dma_wait3A] : memref<40x128xi32, #tpu.memory_space<vmem>> -> memref<1x128xi32, #tpu.memory_space<vmem>>
          %dma_wait3A_325 = tpu.memref_squeeze %dma_wait3A_324 : memref<1x128xi32, #tpu.memory_space<vmem>> -> memref<128xi32, #tpu.memory_space<vmem>>
          %dma_wait3A_326 = arith.constant 0 : i32
          %dma_wait3A_327 = tpu.memref_slice %arg7[%dma_wait3A_326] : memref<10240xf32, #tpu.memory_space<vmem_shared>> -> memref<10240xf32, #tpu.memory_space<vmem_shared>>
          tpu.wait_indirect_dma semaphore(%run_scoped3A : memref<!tpu.dma_semaphore, #tpu.memory_space<semaphore_mem>>) src(%arg5 : memref<128xf32, #tpu.memory_space<vmem>>) dst(%dma_wait3A_327 : memref<10240xf32, #tpu.memory_space<vmem_shared>>)
          tpu.yield
        }) : () -> ()
      }
      %scan3A_318 = arith.constant 40 : i32
    }
    %while3A_305 = arith.constant 1 : i32
    scf.for %while3A_311 = %while3A_303 to %while3A_299 step %while3A_305  : i32 {
      %mul3A_312 = arith.constant 40 : i32
      %mul3A_313 = arith.muli %while3A_311, %mul3A_312 : i32
      %add3A_314 = arith.addi %select_n3A, %mul3A_313 : i32
      "tpu.region"() ({
        %run_scoped3A = tpu.sem_alloc : memref<!tpu.dma_semaphore, #tpu.memory_space<semaphore_mem>>
        %dma_start3A = arith.constant 0 : i32
        %dma_start3A_319 = tpu.memref_slice %arg2[%add3A_314, %dma_start3A] : memref<2560x128xi32, #tpu.memory_space<hbm>> -> memref<40x128xi32, #tpu.memory_space<hbm>>
        %dma_start3A_320 = arith.constant 0 : i32
        %dma_start3A_321 = tpu.memref_slice %arg2[%add3A_314, %dma_start3A_320] : memref<2560x128xi32, #tpu.memory_space<hbm>> -> memref<40x128xi32, #tpu.memory_space<hbm>>
        tpu.enqueue_dma source(%dma_start3A_321 : memref<40x128xi32, #tpu.memory_space<hbm>>) target(%arg4 : memref<40x128xi32, #tpu.memory_space<vmem>>) target_semaphore(%run_scoped3A : memref<!tpu.dma_semaphore, #tpu.memory_space<semaphore_mem>>)
        %dma_wait3A = arith.constant 0 : i32
        %dma_wait3A_322 = tpu.memref_slice %arg2[%add3A_314, %dma_wait3A] : memref<2560x128xi32, #tpu.memory_space<hbm>> -> memref<40x128xi32, #tpu.memory_space<hbm>>
        %dma_wait3A_323 = arith.constant 0 : i32
        %dma_wait3A_324 = tpu.memref_slice %arg2[%add3A_314, %dma_wait3A_323] : memref<2560x128xi32, #tpu.memory_space<hbm>> -> memref<40x128xi32, #tpu.memory_space<hbm>>
        tpu.wait_dma2 semaphore(%run_scoped3A : memref<!tpu.dma_semaphore, #tpu.memory_space<semaphore_mem>>) src(%dma_wait3A_324 : memref<40x128xi32, #tpu.memory_space<hbm>>) dst(%arg4 : memref<40x128xi32, #tpu.memory_space<vmem>>)
        tpu.yield
      }) : () -> ()
      %scan3A = arith.constant 0 : i32
      %scan3A_315 = arith.constant 40 : i32
      %scan3A_316 = arith.addi %scan3A, %scan3A_315 : i32
      %scan3A_317 = arith.constant 1 : i32
      scf.for %scan3A_319 = %scan3A to %scan3A_316 step %scan3A_317  : i32 {
        "tpu.region"() ({
          %run_scoped3A = tpu.sem_alloc : memref<!tpu.dma_semaphore, #tpu.memory_space<semaphore_mem>>
          %dma_start3A = arith.constant 0 : i32
          %dma_start3A_320 = tpu.memref_slice %arg4[%scan3A_319, %dma_start3A] : memref<40x128xi32, #tpu.memory_space<vmem>> -> memref<1x128xi32, #tpu.memory_space<vmem>>
          %dma_start3A_321 = tpu.memref_squeeze %dma_start3A_320 : memref<1x128xi32, #tpu.memory_space<vmem>> -> memref<128xi32, #tpu.memory_space<vmem>>
          %dma_start3A_322 = arith.constant 0 : i32
          %dma_start3A_323 = tpu.memref_slice %arg7[%dma_start3A_322] : memref<10240xf32, #tpu.memory_space<vmem_shared>> -> memref<10240xf32, #tpu.memory_space<vmem_shared>>
          tpu.enqueue_indirect_dma source(%arg5 : memref<128xf32, #tpu.memory_space<vmem>>) target(%dma_start3A_323 : memref<10240xf32, #tpu.memory_space<vmem_shared>>) offsets(%dma_start3A_321 : memref<128xi32, #tpu.memory_space<vmem>>) semaphore(%run_scoped3A : memref<!tpu.dma_semaphore, #tpu.memory_space<semaphore_mem>>) {add = true}
          %dma_wait3A = arith.constant 0 : i32
          %dma_wait3A_324 = tpu.memref_slice %arg4[%scan3A_319, %dma_wait3A] : memref<40x128xi32, #tpu.memory_space<vmem>> -> memref<1x128xi32, #tpu.memory_space<vmem>>
          %dma_wait3A_325 = tpu.memref_squeeze %dma_wait3A_324 : memref<1x128xi32, #tpu.memory_space<vmem>> -> memref<128xi32, #tpu.memory_space<vmem>>
          %dma_wait3A_326 = arith.constant 0 : i32
          %dma_wait3A_327 = tpu.memref_slice %arg7[%dma_wait3A_326] : memref<10240xf32, #tpu.memory_space<vmem_shared>> -> memref<10240xf32, #tpu.memory_space<vmem_shared>>
          tpu.wait_indirect_dma semaphore(%run_scoped3A : memref<!tpu.dma_semaphore, #tpu.memory_space<semaphore_mem>>) src(%arg5 : memref<128xf32, #tpu.memory_space<vmem>>) dst(%dma_wait3A_327 : memref<10240xf32, #tpu.memory_space<vmem_shared>>)
          tpu.yield
        }) : () -> ()
      }
      %scan3A_318 = arith.constant 40 : i32
    }
    %barrier3A_306 = arith.constant 0 : index
    tpu.barrier barrier_id(%barrier3A_306)
    %mul3A_307 = arith.constant 640 : i32
    %mul3A_308 = arith.muli %arg1, %mul3A_307 : i32
    %mul3A_309 = arith.constant 640 : i32
    %mul3A_310 = arith.muli %arg1, %mul3A_309 : i32
    "tpu.region"() ({
      %run_scoped3A = tpu.sem_alloc : memref<!tpu.dma_semaphore, #tpu.memory_space<semaphore_mem>>
      %dma_start3A = tpu.memref_slice %arg3[%arg0, %mul3A_310] : memref<2x10240xf32, #tpu.memory_space<hbm>> -> memref<1x640xf32, #tpu.memory_space<hbm>>
      %dma_start3A_311 = tpu.memref_squeeze %dma_start3A : memref<1x640xf32, #tpu.memory_space<hbm>> -> memref<640xf32, #tpu.memory_space<hbm>>
      %dma_start3A_312 = tpu.memref_slice %arg7[%mul3A_308] : memref<10240xf32, #tpu.memory_space<vmem_shared>> -> memref<640xf32, #tpu.memory_space<vmem_shared>>
      tpu.enqueue_dma source(%dma_start3A_312 : memref<640xf32, #tpu.memory_space<vmem_shared>>) target(%dma_start3A_311 : memref<640xf32, #tpu.memory_space<hbm>>) target_semaphore(%run_scoped3A : memref<!tpu.dma_semaphore, #tpu.memory_space<semaphore_mem>>)
      %dma_wait3A = tpu.memref_slice %arg3[%arg0, %mul3A_310] : memref<2x10240xf32, #tpu.memory_space<hbm>> -> memref<1x640xf32, #tpu.memory_space<hbm>>
      %dma_wait3A_313 = tpu.memref_squeeze %dma_wait3A : memref<1x640xf32, #tpu.memory_space<hbm>> -> memref<640xf32, #tpu.memory_space<hbm>>
      %dma_wait3A_314 = tpu.memref_slice %arg7[%mul3A_308] : memref<10240xf32, #tpu.memory_space<vmem_shared>> -> memref<640xf32, #tpu.memory_space<vmem_shared>>
      tpu.wait_dma2 semaphore(%run_scoped3A : memref<!tpu.dma_semaphore, #tpu.memory_space<semaphore_mem>>) src(%dma_wait3A_314 : memref<640xf32, #tpu.memory_space<vmem_shared>>) dst(%dma_wait3A_313 : memref<640xf32, #tpu.memory_space<hbm>>)
      tpu.yield
    }) : () -> ()
    return
  }
}

module attributes {stable_mosaic.version = 14 : i64} {
  func.func @_mm_body(%arg0: i32, %arg1: memref<2x10240xf32, #tpu.memory_space<vmem>>, %arg2: memref<1024x128xf32, #tpu.memory_space<vmem>>, %arg3: memref<128x128xf32, #tpu.memory_space<vmem>>, %arg4: memref<1024x128xf32, #tpu.memory_space<vmem>>) attributes {dimension_semantics = [#tpu.dimension_semantics<arbitrary>], iteration_bounds = array<i64: 10>, scalar_prefetch = 0 : i64, scratch_operands = 0 : i64, tpu.core_type = #tpu.core_type<tc>, window_params = [{pipeline_mode = #tpu.pipeline_mode<synchronous>, transform_indices = @transform_0, window_bounds = array<i64: 2, 10240>}, {transform_indices = @transform_1, window_bounds = array<i64: 1024, 128>}, {pipeline_mode = #tpu.pipeline_mode<synchronous>, transform_indices = @transform_2, window_bounds = array<i64: 128, 128>}, {transform_indices = @transform_3, window_bounds = array<i64: 1024, 128>}]} {
    %mul3A = arith.constant 1024 : i32
    %mul3A_0 = arith.muli %arg0, %mul3A : i32
    %get3A = arith.constant 0 : index
    %get3A_1 = arith.index_cast %mul3A_0 : i32 to index
    %get3A_2 = vector.load %arg1[%get3A, %get3A_1] : memref<2x10240xf32, #tpu.memory_space<vmem>>, vector<1x1024xf32>
    %get3A_3 = vector.shape_cast %get3A_2 : vector<1x1024xf32> to vector<1024xf32>
    %mul3A_4 = arith.constant 1024 : i32
    %mul3A_5 = arith.muli %arg0, %mul3A_4 : i32
    %get3A_6 = arith.constant 1 : index
    %get3A_7 = arith.index_cast %mul3A_5 : i32 to index
    %get3A_8 = vector.load %arg1[%get3A_6, %get3A_7] : memref<2x10240xf32, #tpu.memory_space<vmem>>, vector<1x1024xf32>
    %get3A_9 = vector.shape_cast %get3A_8 : vector<1x1024xf32> to vector<1024xf32>
    %add3A = arith.addf %get3A_3, %get3A_9 : vector<1024xf32>
    %gt3A = arith.constant 0.000000e+00 : f32
    %gt3A_10 = vector.broadcast %gt3A : f32 to vector<1024xf32>
    %gt3A_11 = arith.cmpf ogt, %add3A, %gt3A_10 : vector<1024xf32>
    %rsqrt3A = math.rsqrt %add3A : vector<1024xf32>
    %jit3A = arith.constant 0.000000e+00 : f32
    %broadcast_in_dim3A = vector.broadcast %jit3A : f32 to vector<1024xf32>
    %select_n3A = arith.select %gt3A_11, %rsqrt3A, %broadcast_in_dim3A : vector<1024xi1>, vector<1024xf32>
    %get3A_12 = arith.constant 0 : index
    %get3A_13 = arith.constant 0 : index
    %get3A_14 = vector.load %arg2[%get3A_12, %get3A_13] : memref<1024x128xf32, #tpu.memory_space<vmem>>, vector<1024x128xf32>
    %get3A_15 = arith.constant 0 : index
    %get3A_16 = arith.constant 0 : index
    %get3A_17 = vector.load %arg3[%get3A_15, %get3A_16] : memref<128x128xf32, #tpu.memory_space<vmem>>, vector<128x128xf32>
    %dot_general3A = arith.constant dense<0.000000e+00> : vector<1024x128xf32>
    %dot_general3A_18 = tpu.matmul %get3A_14, %get3A_17, %dot_general3A {dimension_numbers = #tpu.dot_dimension_numbers<[1], [1], [0], [0], [0, 0, 1, 0], [], []>, transpose_lhs_hint = false} : vector<1024x128xf32>, vector<128x128xf32>, vector<1024x128xf32> -> vector<1024x128xf32>
    %broadcast_in_dim3A_19 = vector.shape_cast %select_n3A : vector<1024xf32> to vector<1024x1xf32>
    %mul3A_20 = vector.broadcast %broadcast_in_dim3A_19 : vector<1024x1xf32> to vector<1024x128xf32>
    %mul3A_21 = arith.mulf %dot_general3A_18, %mul3A_20 : vector<1024x128xf32>
    %swap3A = arith.constant 0 : index
    %swap3A_22 = arith.constant 0 : index
    %swap3A_23 = vector.load %arg4[%swap3A, %swap3A_22] : memref<1024x128xf32, #tpu.memory_space<vmem>>, vector<1024x128xf32>
    tpu.vector_store %arg4[%swap3A, %swap3A_22], %mul3A_21 {strides = array<i32>} : memref<1024x128xf32, #tpu.memory_space<vmem>>, vector<1024x128xf32>,
    return
  }
  func.func @transform_0(%arg0: i32) -> (i32, i32) {
    %c0_i32 = arith.constant 0 : i32
    %c0_i32_0 = arith.constant 0 : i32
    %c0_i32_1 = arith.constant 0 : i32
    return %c0_i32, %c0_i32_0 : i32, i32
  }
  func.func @transform_1(%arg0: i32) -> (i32, i32) {
    %c0_i32 = arith.constant 0 : i32
    %c0_i32_0 = arith.constant 0 : i32
    return %arg0, %c0_i32 : i32, i32
  }
  func.func @transform_2(%arg0: i32) -> (i32, i32) {
    %c0_i32 = arith.constant 0 : i32
    %c0_i32_0 = arith.constant 0 : i32
    %c0_i32_1 = arith.constant 0 : i32
    return %c0_i32, %c0_i32_0 : i32, i32
  }
  func.func @transform_3(%arg0: i32) -> (i32, i32) {
    %c0_i32 = arith.constant 0 : i32
    %c0_i32_0 = arith.constant 0 : i32
    return %arg0, %c0_i32 : i32, i32
  }
}

module attributes {stable_mosaic.version = 14 : i64} {
  func.func @_fin_body(%arg0: i32, %arg1: memref<2x10240xf32, #tpu.memory_space<vmem>>, %arg2: memref<2x1024x128xf32, #tpu.memory_space<vmem>>, %arg3: memref<1x128xf32, #tpu.memory_space<vmem>>, %arg4: memref<1024x128xf32, #tpu.memory_space<vmem>>) attributes {dimension_semantics = [#tpu.dimension_semantics<arbitrary>], iteration_bounds = array<i64: 10>, scalar_prefetch = 0 : i64, scratch_operands = 0 : i64, tpu.core_type = #tpu.core_type<tc>, window_params = [{pipeline_mode = #tpu.pipeline_mode<synchronous>, transform_indices = @transform_0, window_bounds = array<i64: 2, 10240>}, {transform_indices = @transform_1, window_bounds = array<i64: 2, 1024, 128>}, {pipeline_mode = #tpu.pipeline_mode<synchronous>, transform_indices = @transform_2, window_bounds = array<i64: 1, 128>}, {transform_indices = @transform_3, window_bounds = array<i64: 1024, 128>}]} {
    %mul3A = arith.constant 1024 : i32
    %mul3A_0 = arith.muli %arg0, %mul3A : i32
    %get3A = arith.constant 0 : index
    %get3A_1 = arith.index_cast %mul3A_0 : i32 to index
    %get3A_2 = vector.load %arg1[%get3A, %get3A_1] : memref<2x10240xf32, #tpu.memory_space<vmem>>, vector<1x1024xf32>
    %get3A_3 = vector.shape_cast %get3A_2 : vector<1x1024xf32> to vector<1024xf32>
    %mul3A_4 = arith.constant 1024 : i32
    %mul3A_5 = arith.muli %arg0, %mul3A_4 : i32
    %get3A_6 = arith.constant 1 : index
    %get3A_7 = arith.index_cast %mul3A_5 : i32 to index
    %get3A_8 = vector.load %arg1[%get3A_6, %get3A_7] : memref<2x10240xf32, #tpu.memory_space<vmem>>, vector<1x1024xf32>
    %get3A_9 = vector.shape_cast %get3A_8 : vector<1x1024xf32> to vector<1024xf32>
    %add3A = arith.addf %get3A_3, %get3A_9 : vector<1024xf32>
    %gt3A = arith.constant 0.000000e+00 : f32
    %gt3A_10 = vector.broadcast %gt3A : f32 to vector<1024xf32>
    %gt3A_11 = arith.cmpf ogt, %add3A, %gt3A_10 : vector<1024xf32>
    %rsqrt3A = math.rsqrt %add3A : vector<1024xf32>
    %jit3A = arith.constant 0.000000e+00 : f32
    %broadcast_in_dim3A = vector.broadcast %jit3A : f32 to vector<1024xf32>
    %select_n3A = arith.select %gt3A_11, %rsqrt3A, %broadcast_in_dim3A : vector<1024xi1>, vector<1024xf32>
    %get3A_12 = arith.constant 0 : index
    %get3A_13 = arith.constant 0 : index
    %get3A_14 = arith.constant 0 : index
    %get3A_15 = vector.load %arg2[%get3A_12, %get3A_13, %get3A_14] : memref<2x1024x128xf32, #tpu.memory_space<vmem>>, vector<1x1024x128xf32>
    %get3A_16 = vector.shape_cast %get3A_15 : vector<1x1024x128xf32> to vector<1024x128xf32>
    %get3A_17 = arith.constant 1 : index
    %get3A_18 = arith.constant 0 : index
    %get3A_19 = arith.constant 0 : index
    %get3A_20 = vector.load %arg2[%get3A_17, %get3A_18, %get3A_19] : memref<2x1024x128xf32, #tpu.memory_space<vmem>>, vector<1x1024x128xf32>
    %get3A_21 = vector.shape_cast %get3A_20 : vector<1x1024x128xf32> to vector<1024x128xf32>
    %add3A_22 = arith.addf %get3A_16, %get3A_21 : vector<1024x128xf32>
    %broadcast_in_dim3A_23 = vector.shape_cast %select_n3A : vector<1024xf32> to vector<1024x1xf32>
    %mul3A_24 = vector.broadcast %broadcast_in_dim3A_23 : vector<1024x1xf32> to vector<1024x128xf32>
    %mul3A_25 = arith.mulf %add3A_22, %mul3A_24 : vector<1024x128xf32>
    %get3A_26 = arith.constant 0 : index
    %get3A_27 = arith.constant 0 : index
    %get3A_28 = vector.load %arg3[%get3A_26, %get3A_27] : memref<1x128xf32, #tpu.memory_space<vmem>>, vector<1x128xf32>
    %get3A_29 = vector.shape_cast %get3A_28 : vector<1x128xf32> to vector<128xf32>
    %broadcast_in_dim3A_30 = vector.shape_cast %get3A_29 : vector<128xf32> to vector<1x128xf32>
    %add3A_31 = vector.broadcast %broadcast_in_dim3A_30 : vector<1x128xf32> to vector<1024x128xf32>
    %add3A_32 = arith.addf %mul3A_25, %add3A_31 : vector<1024x128xf32>
    %max3A = arith.constant 0.000000e+00 : f32
    %max3A_33 = vector.broadcast %max3A : f32 to vector<1024x128xf32>
    %max3A_34 = arith.maximumf %add3A_32, %max3A_33 : vector<1024x128xf32>
    %swap3A = arith.constant 0 : index
    %swap3A_35 = arith.constant 0 : index
    %swap3A_36 = vector.load %arg4[%swap3A, %swap3A_35] : memref<1024x128xf32, #tpu.memory_space<vmem>>, vector<1024x128xf32>
    tpu.vector_store %arg4[%swap3A, %swap3A_35], %max3A_34 {strides = array<i32>} : memref<1024x128xf32, #tpu.memory_space<vmem>>, vector<1024x128xf32>,
    return
  }
  func.func @transform_0(%arg0: i32) -> (i32, i32) {
    %c0_i32 = arith.constant 0 : i32
    %c0_i32_0 = arith.constant 0 : i32
    %c0_i32_1 = arith.constant 0 : i32
    return %c0_i32, %c0_i32_0 : i32, i32
  }
  func.func @transform_1(%arg0: i32) -> (i32, i32, i32) {
    %c0_i32 = arith.constant 0 : i32
    %c0_i32_0 = arith.constant 0 : i32
    %c0_i32_1 = arith.constant 0 : i32
    return %c0_i32, %arg0, %c0_i32_0 : i32, i32, i32
  }
  func.func @transform_2(%arg0: i32) -> (i32, i32) {
    %c0_i32 = arith.constant 0 : i32
    %c0_i32_0 = arith.constant 0 : i32
    %c0_i32_1 = arith.constant 0 : i32
    return %c0_i32, %c0_i32_0 : i32, i32
  }
  func.func @transform_3(%arg0: i32) -> (i32, i32) {
    %c0_i32 = arith.constant 0 : i32
    %c0_i32_0 = arith.constant 0 : i32
    return %arg0, %c0_i32 : i32, i32
  }
}

</mosaic_0001>

<sc_bundles>
// kernel: kernel.6.cloned.1.call-start
scs
__scs_entry_jumppad:
0x0: {  	(pc) =	sbr.rel $0x88, $3  }
0x1: {  	(tag) =	ssettag $0x0;
	lr =	simm.s32 $0x1  }
0x2: {  	[smem:$0x3F9D] =	sst lr;
	_ =	strace $0xD0000000  }
0x3: {  	_ = 	snop  }
0x4: {  	_ = 	snop  }
0x5: {  	_ = 	snop  }
0x6: {  	_ = 	snop  }
0x7: {  	_ = 	snop  }
__scs_overlays_trampoline_lowered:
0x8: {  	[smem:$0x3FAC] =	sst s0  }
0x9: {  	[smem:$0x3FAD] =	sst s1  }
0xa: {  	[smem:$0x3FAE] =	sst s2  }
0xb: {  	[smem:$0x3FAF] =	sst s3  }
0xc: {  	[smem:$0x3FB0] =	sst s4  }
0xd: {  	[smem:$0x3FB1] =	sst s5  }
0xe: {  	[smem:$0x3FB2] =	sst s6  }
0xf: {  	[smem:$0x3FB3] =	sst s7  }
0x10: {  	[smem:$0x3FB4] =	sst s8  }
0x11: {  	[smem:$0x3FB5] =	sst s9;
	s0 =	simm.s32 @!p0 $0x0  }
0x12: {  	s1 =	sld [smem:$0x3F9B];
	s0 =	simm.s32 @p0 $0x1  }
0x13: {  	[smem:$0x3FB6] =	sst s0;
	s0 =	simm.s32 @!p1 $0x0  }
0x14: {  	s2 =	sld [smem:$0x3F9A];
	s0 =	simm.s32 @p1 $0x1  }
0x15: {  	[smem:$0x3FB7] =	sst s0;
	s0 =	simm.s32 @!p2 $0x0  }
0x16: {  	s3 =	sld [smem:$0x3FDB];
	s0 =	simm.s32 @p2 $0x1  }
0x17: {  	s4 =	simm.s32 $0x1BF5;
	[smem:$0x3FB9] =	sst s0  }
0x18: {  	s0 =	sld [smem:$0x3F9C];
	_ =	swait.ge [sflag:s4], $0x0  }
0x19: {  	s7 =	sld [smem:$0x3F9D]  }
0x1a: {  	s8 =	sadd.s32 $0xFFFFE003, lr  }
0x1b: {  	s9 =	sadd.s32 $0xFFFFFEF7, lr;
	s5 =	simm.s32 $0xFFFFFFFF;
	p2 =	slt.u32 s8, $0xFFFFF086  }
0x1c: {  	p1 =	slt.u32 s9, $0xF7A;
	s5 =	simm.s32 @!p2 $0x0  }
0x1d: {  	s5 =	simm.s32 @p1 $0x1;
	p0 =	seq.s32 s7, s2  }
0x1e: {  	s7 =	smul.u32 @!p0 $0xF7A, s2;
	p2 =	seq.s32 @!p0 s5, $0x0  }
0x1f: {  	s9 =	smul.u32 $0xF7A, s1;
	s8 =	simm.s32 @!p0 $0x1BF5;
	p2 =	por !p2, p0  }
0x20: {  	[sflag:s8] =	ssyncset.s32 @!p0 $0xFFFFF086;
	s6 =	sadd.s32 @!p0 s3, s7;
	s7 =	simm.s32 @!p0 $0x108  }
0x21: {  	s3 =	sadd.s32 s3, s9;
	s6 =	sadd.s32 @!p0 $0x88, s6;
	s7 =	simm.s32 @p2 $0x1082  }
0x22: {  	[simem:s7], [sflag:s8] =	dma.local @!p0 [hbm:s6], $0xF7A  }
0x23: {  	s9 =	sor.u32 $0xD0000000, s2;
	s6 =	simm.s32 $0x108;
	_ =	swait.ge @!p0 [sflag:s8], $0x0  }
0x24: {  	s3 =	sadd.s32 $0x88, s3;
	s6 =	simm.s32 @!p1 $0x1082;
	[sflag:s4] =	ssyncset.s32 $0xFFFFF086  }
0x25: {  	[simem:s6], [sflag:s4] =	dma.local [hbm:s3], $0xF7A  }
0x26: {  	[smem:$0x3F9D] =	sst s1;
	(tag) =	ssettag s2;
	_ =	strace s9  }
0x27: {  	s1 =	sld [smem:$0x3FAD]  }
0x28: {  	s2 =	sld [smem:$0x3FAE]  }
0x29: {  	s4 =	sld [smem:$0x3FB0]  }
0x2a: {  	p0 =	seq.s32 s5, $0x0;
	s5 =	sld [smem:$0x3FB1]  }
0x2b: {  	s6 =	sld [smem:$0x3FB2]  }
0x2c: {  	s7 =	sld [smem:$0x3FB3]  }
0x2d: {  	s3 =	simm.s32 $0x108;
	s8 =	sld [smem:$0x3FB4]  }
0x2e: {  	s3 =	simm.s32 @!p0 $0x1082;
	s9 =	sld [smem:$0x3FB5]  }
0x2f: {  	lr =	sadd.s32 s0, s3;
	s0 =	sld [smem:$0x3FAC]  }
0x30: {  	s3 =	sld [smem:$0x3FAF]  }
0x31: {  	[smem:$0x3FB8] =	sst s10  }
0x32: {  	s10 =	sld [smem:$0x3FB6];
	_ =	sdelay $0x3  }
0x33: {  	p0 =	seq.s32 s10, $0x1;
	s10 =	sld [smem:$0x3FB8];
	_ =	sdelay $0x3  }
0x34: {  	[smem:$0x3FB8] =	sst s10  }
0x35: {  	s10 =	sld [smem:$0x3FB7];
	_ =	sdelay $0x3  }
0x36: {  	p1 =	seq.s32 s10, $0x1;
	s10 =	sld [smem:$0x3FB8];
	_ =	sdelay $0x3  }
0x37: {  	[smem:$0x3FB8] =	sst s10  }
0x38: {  	s10 =	sld [smem:$0x3FB9]  }
0x39: {  	_ = 	snop;
	(pc) =	sbr.ind lr, $3  }
0x3a: {  	_ = 	snop  }
0x3b: {  	_ = 	snop  }
0x3c: {  	p2 =	seq.s32 s10, $0x1;
	s10 =	sld [smem:$0x3FB8]  }
0x3d: {  	_ =	shalt  }
0x3e: {  	_ =	shalt  }
0x3f: {  	_ =	shalt  }
0x40: {  	_ =	shalt  }
0x41: {  	_ =	shalt  }
0x42: {  	_ =	shalt  }
0x43: {  	_ =	shalt  }
0x44: {  	_ =	shalt  }
0x45: {  	_ =	shalt  }
0x46: {  	_ =	shalt  }
0x47: {  	_ =	shalt  }
0x48: {  	_ =	shalt  }
0x49: {  	_ =	shalt  }
0x4a: {  	_ =	shalt  }
0x4b: {  	_ =	shalt  }
0x4c: {  	_ =	shalt  }
0x4d: {  	_ =	shalt  }
0x4e: {  	_ =	shalt  }
0x4f: {  	_ =	shalt  }
0x50: {  	_ =	shalt  }
0x51: {  	_ =	shalt  }
0x52: {  	_ =	shalt  }
0x53: {  	_ =	shalt  }
0x54: {  	_ =	shalt  }
0x55: {  	_ =	shalt  }
0x56: {  	_ =	shalt  }
0x57: {  	_ =	shalt  }
0x58: {  	_ =	shalt  }
0x59: {  	_ =	shalt  }
0x5a: {  	_ =	shalt  }
0x5b: {  	_ =	shalt  }
0x5c: {  	_ =	shalt  }
0x5d: {  	_ =	shalt  }
0x5e: {  	_ =	shalt  }
0x5f: {  	_ =	shalt  }
0x60: {  	_ =	shalt  }
0x61: {  	_ =	shalt  }
0x62: {  	_ =	shalt  }
0x63: {  	_ =	shalt  }
0x64: {  	_ =	shalt  }
0x65: {  	_ =	shalt  }
0x66: {  	_ =	shalt  }
0x67: {  	_ =	shalt  }
0x68: {  	_ =	shalt  }
0x69: {  	_ =	shalt  }
0x6a: {  	_ =	shalt  }
0x6b: {  	_ =	shalt  }
0x6c: {  	_ =	shalt  }
0x6d: {  	_ =	shalt  }
0x6e: {  	_ =	shalt  }
0x6f: {  	_ =	shalt  }
0x70: {  	_ =	shalt  }
0x71: {  	_ =	shalt  }
0x72: {  	_ =	shalt  }
0x73: {  	_ =	shalt  }
0x74: {  	_ =	shalt  }
0x75: {  	_ =	shalt  }
0x76: {  	_ =	shalt  }
0x77: {  	_ =	shalt  }
0x78: {  	_ =	shalt  }
0x79: {  	_ =	shalt  }
0x7a: {  	_ =	shalt  }
0x7b: {  	_ =	shalt  }
0x7c: {  	_ =	shalt  }
0x7d: {  	_ =	shalt  }
0x7e: {  	_ =	shalt  }
0x7f: {  	_ =	shalt  }
0x80: {  	_ =	shalt  }
0x81: {  	_ =	shalt  }
0x82: {  	_ =	shalt  }
0x83: {  	_ =	shalt  }
0x84: {  	_ =	shalt  }
0x85: {  	_ =	shalt  }
0x86: {  	_ =	shalt  }
0x87: {  	_ =	shalt  }
.Lfunc_end0:
.L_simem_size_0:
called_computation_lowered:
.L_overlay_start_0:
0x88: {  	s2 =	sld [smem:$0x3FD9]  }
0x89: {  	s3 =	sld [smem:$0x3FFE];
	_ =	sdelay $0x1  }
0x8a: {  	s1 =	srdreg.scid  }
0x8b: {  	s0 =	sand.u32 $0x1, s1  }
0x8c: {  	s17 =	sshll.u32 s0, $0xA;
	s2 =	sadd.s32 s3, s2  }
0x8d: {  	s2 =	sadd.s32 s2, s17  }
0x8e: {  	[smem:$0x3FC4] =	sst s2  }
0x8f: {  	_ = 	snop  }
0x90: {  	s2 =	sld [smem:$0x3FD0];
	(tm) =	ssettm $0x1  }
0x91: {  	s18 =	sld [smem:$0x3FFB];
	_ =	sdelay $0x3  }
0x92: {  	_ =	strace s18  }
0x93: {  	s3 =	sld [smem:$0x3FFC];
	_ =	sdelay $0x3  }
0x94: {  	_ =	strace s3  }
0x95: {  	s3 =	sld [smem:$0x3FFD];
	_ =	sdelay $0x3  }
0x96: {  	_ =	strace s3  }
0x97: {  	_ =	strace $0x8FFFFFFF  }
0x98: {  	s19 =	sld [smem:$0x3FDB];
	_ =	sdelay $0x1  }
0x99: {  	s4 =	simm.s32 $_scs_section_size  }
0x9a: {  	s5 =	simm.s32 $_size__tile_overlayer_lowered;
	s6 =	simm.s32 $_tile_overlayer_lowered  }
0x9b: {  	s22 =	simm.s32 $0x1BFF;
	s21 =	sshll.u32 s6, $0x1;
	s3 =	sadd.s32 s4, s19  }
0x9c: {  	s7 =	simm.s32 $0x0;
	s20 =	sshll.u32 s5, $0x1;
	s5 =	sadd.s32 s21, s3  }
0x9d: {  	[timem:s7], [sflag:s22] =	dma.local [hbm:s5], s20  }
0x9e: {  	_ =	swait.ge [sflag:s22], s20  }
0x9f: {  	s4 =	ssub.s32 $0x0, s20;
	[sflag:s22] =	ssyncset.done $0x0  }
0xa0: {  	[sflag:s22] =	ssyncadd.s32 s4;
	_ =	sdelay $0x1  }
0xa1: {  	s23 =	simm.s32 $0x1B8B  }
0xa2: {  	_ =	swait.ge [sflag:s23], $0x1  }
0xa3: {  	[sflag:s23] =	ssyncset.done $0x0  }
0xa4: {  	s25 =	simm.s32 $0x1B8E;
	s24 =	sld [smem:$0x3FFE];
	[sflag:s23] =	ssyncadd.s32 $0xFFFFFFFF  }
0xa5: {  	s26 =	simm.s32 $execute0_lowered;
	[smem:$0x3FD2] =	sst s25  }
0xa6: {  	s5 =	sshll.u32 s26, $0x1;
	_ =	strace $0x80000046;
	[dreg:$0x1] =	wrdreg $0xFFFFFFFF  }
0xa7: {  	s28 =	simm.s32 $_size_execute0_lowered;
	s3 =	sadd.s32 s3, s5;
	[dreg:$0x0] =	wrdreg $0x0  }
0xa8: {  	s5 =	sshll.u32 s28, $0x1;
	[dreg:$0x2] =	wrdreg s3  }
0xa9: {  	[dreg:$0x3] =	wrdreg s5  }
0xaa: {  	[dreg:$0x4] =	wrdreg $0xC0  }
0xab: {  	_ =	task [dreg:s7], $0x5FFFF  }
0xac: {  	[dreg:$0x1] =	wrdreg $0xFFFFFFFF  }
0xad: {  	[dreg:$0x0] =	wrdreg $0x60  }
0xae: {  	[dreg:$0x2] =	wrdreg s24  }
0xaf: {  	[dreg:$0x3] =	wrdreg s2  }
0xb0: {  	[dreg:$0x4] =	wrdreg $0x17000  }
0xb1: {  	[dreg:$0x5] =	wrdreg $0x9  }
0xb2: {  	_ =	task.clear_ibuf [dreg:s7], $0x6FFFF;
	_ =	strace $0x90000046  }
0xb3: {  	s29 =	simm.s32 $0x9;
	_ =	strace $0x80000048  }
0xb4: {  	_ =	swait.ge [sflag:s29], $0x1  }
0xb5: {  	[sflag:s29] =	ssyncadd.s32 $0xFFFFFFFF  }
0xb6: {  	_ =	strace $0x90000048  }
0xb7: {  	_ =	sfence  }
0xb8: {  	s30 =	sld [smem:$0x0];
	_ =	sdelay $0x2  }
0xb9: {  	s31 =	sshll.u32 s1, $0xD;
	s1 =	sshrl.u32 s1, $0x2  }
0xba: {  	s3 =	sand.u32 $0x4000, s31;
	s1 =	sadd.s32 s1, s30  }
0xbb: {  	s0 =	sor.u32 s3, s0;
	s1 =	sshll.u32 s1, $0x11  }
0xbc: {  	s0 =	sor.u32 s1, s0  }
0xbd: {  	s0 =	sadd.s32 $0x8F2B, s0  }
0xbe: {  	[sflag:s0] =	ssyncadd.remote.s32 $0x1  }
0xbf: {  	_ =	sfence.sel $0xFFFF  }
0xc0: {  	[dreg:$0x0] =	wrdreg $0xFFFFFFFF;
	(pc) =	sbr.abs _section_cstart, $3  }
0xc1: {  	[dreg:$0x1] =	wrdreg $0xFFFFFFFF  }
0xc2: {  	_ =	task.clear_ibuf [dreg:s7], $0x2FFFF;
	_ =	strace $0x9FFFFFFF  }
0xc3: {  	(tm) =	ssettm $0x7FFFFFFF  }
tec
execute0_lowered:
.L_overlay_start_1:
0x0: {  	(tag) =	ssettag $0x1  }
0x1: {  	s4 =	rddreg [dreg:$0x0]  }
0x2: {  	s7 =	rddreg [dreg:$0x1]  }
0x3: {  	s2 =	rddreg [dreg:$0x2]  }
0x4: {  	s0 =	rddreg [dreg:$0x3];
	s1 =	stileid.u32  }
0x5: {  	s5 =	srdreg.scid;
	s3 =	simm.s32 $0x0;
	s6 =	smul.u32 $0x28, s1  }
0x6: {  	s15 =	simm.s32 $0x20;
	s16 =	simm.s32 $0x10;
	s9 =	smul.u32 $0xA00, s1  }
0x7: {  	s13 =	sand.u32 $0x1, s5;
	[smem:$0x7FF] =	sst s3;
	s10 =	smul.u32 $0x500, s1  }
0x8: {  	s4 =	sadd.s32 $0xB400, s4;
	s11 =	smul.u32 $0x78, s1;
	s14 =	sshll.u32 s1, $0x6  }
0x9: {  	s5 =	ssub.s32 $0x2, s13;
	_ =	strace $0x80000047;
	p0 =	seq.s32 s13, $0x0  }
0xa: {  	s12 =	sshll.u32 s13, $0x7;
	s8 =	sshrl.u32 s5, $0x1;
	s30 =	sshrl.u32 s9, $0x2  }
0xb: {  	s31 =	sor.u32 s12, s10;
	s10 =	simm.s32 $0x1;
	s12 =	simm.s32 $0x1400  }
0xc: {  	s8 =	ssub.s32 s5, s8;
	s5 =	sadd.s32 $0x780, s6;
	s9 =	sshrl.u32 s31, $0x3  }
0xd: {  	s6 =	sadd.s32 s30, s2;
	s5 =	smov.u32 @p0 s11;
	s7 =	sadd.s32 s7, s9  }
0xe: {  	s8 =	smax.u32 s8, $0x1;
	s9 =	simm.s32 $0x1480;
	s11 =	simm.s32 $0x80  }
0xf: {  	v0 =	vimm.f32 $1.000000000e+00;
	v1 =	vimm.f32 $0.0e+00;
	p0 =	sne.s32 s13, $0x0;
	s13 =	sor.u32 $0x1C01, s14;
	s14 =	sshrl.u32 s6, $0x3  }
.LBB2_1:
0x10: {  	[tilespmem:$0x1400] =	vst v0  }
0x11: {  	[tilespmem:$0x1410] =	vst v0  }
0x12: {  	[tilespmem:$0x1420] =	vst v0  }
0x13: {  	[tilespmem:$0x1430] =	vst v0  }
0x14: {  	[tilespmem:$0x1440] =	vst v0  }
0x15: {  	[tilespmem:$0x1450] =	vst v0  }
0x16: {  	[tilespmem:$0x1460] =	vst v0  }
0x17: {  	[tilespmem:$0x1470] =	vst v0  }
0x18: {  	[tilespmem:$0x1480] =	vst v1  }
0x19: {  	[tilespmem:$0x1490] =	vst v1  }
0x1a: {  	[tilespmem:$0x14A0] =	vst v1  }
0x1b: {  	[tilespmem:$0x14B0] =	vst v1  }
0x1c: {  	[tilespmem:$0x14C0] =	vst v1  }
0x1d: {  	[tilespmem:$0x14D0] =	vst v1  }
0x1e: {  	[tilespmem:$0x14E0] =	vst v1  }
0x1f: {  	[tilespmem:$0x14F0] =	vst v1  }
0x20: {  	[tilespmem:$0x1500] =	vst v1  }
0x21: {  	[tilespmem:$0x1510] =	vst v1  }
0x22: {  	[tilespmem:$0x1520] =	vst v1  }
0x23: {  	[tilespmem:$0x1530] =	vst v1  }
0x24: {  	[tilespmem:$0x1540] =	vst v1  }
0x25: {  	[tilespmem:$0x1550] =	vst v1  }
0x26: {  	[tilespmem:$0x1560] =	vst v1  }
0x27: {  	[tilespmem:$0x1570] =	vst v1  }
0x28: {  	[tilespmem:$0x1580] =	vst v1  }
0x29: {  	[tilespmem:$0x1590] =	vst v1  }
0x2a: {  	[tilespmem:$0x15A0] =	vst v1  }
0x2b: {  	[tilespmem:$0x15B0] =	vst v1  }
0x2c: {  	[tilespmem:$0x15C0] =	vst v1  }
0x2d: {  	[tilespmem:$0x15D0] =	vst v1  }
0x2e: {  	[tilespmem:$0x15E0] =	vst v1  }
0x2f: {  	[tilespmem:$0x15F0] =	vst v1  }
0x30: {  	[tilespmem:$0x1600] =	vst v1  }
0x31: {  	[tilespmem:$0x1610] =	vst v1  }
0x32: {  	[tilespmem:$0x1620] =	vst v1  }
0x33: {  	[tilespmem:$0x1630] =	vst v1  }
0x34: {  	[tilespmem:$0x1640] =	vst v1  }
0x35: {  	[tilespmem:$0x1650] =	vst v1  }
0x36: {  	[tilespmem:$0x1660] =	vst v1  }
0x37: {  	[tilespmem:$0x1670] =	vst v1  }
0x38: {  	[tilespmem:$0x1680] =	vst v1  }
0x39: {  	[tilespmem:$0x1690] =	vst v1  }
0x3a: {  	[tilespmem:$0x16A0] =	vst v1  }
0x3b: {  	[tilespmem:$0x16B0] =	vst v1  }
0x3c: {  	[tilespmem:$0x16C0] =	vst v1  }
0x3d: {  	[tilespmem:$0x16D0] =	vst v1  }
0x3e: {  	[tilespmem:$0x16E0] =	vst v1  }
0x3f: {  	[tilespmem:$0x16F0] =	vst v1  }
0x40: {  	[spmem:s6] =	stream.linear.scatter [tilespmem:s9], [sflag:$0x1], $0x280, $0x38;
	[tilespmem:$0x1980] =	vst v63  }
0x41: {  	_ =	swait.ge [sflag:s10], $0x280  }
0x42: {  	[sflag:s10] =	ssyncset.done $0x0  }
0x43: {  	[sflag:s10] =	ssyncadd.s32 $0xFFFFFD80  }
0x44: {  	s17 =	simm.s32 $0x0;
	[bflag:$0x0] =	sbarrier.arrive $0xFFFF  }
.LBB2_2:
0x45: {  	s18 =	smul.u32 $0x28, s17;
	_ =	sdelay $0x1  }
0x46: {  	s18 =	sadd.s32 s5, s18  }
0x47: {  	s18 =	sshll.u32 s18, $0x4  }
0x48: {  	s19 =	simm.s32 $0x0;
	s18 =	sadd.s32 s4, s18  }
0x49: {  	[tilespmem:s19], [sflag:$0x1] =	stream.linear.gather [hbm4b:s18+s19], $0x1400, $0x38;
	[tilespmem:$0x1980] =	vst v63  }
0x4a: {  	_ =	swait.ge [sflag:s10], $0x1400  }
0x4b: {  	[sflag:s10] =	ssyncset.done $0x0  }
0x4c: {  	s31 =	simm.s32 $0x0;
	[sflag:s10] =	ssyncadd.s32 $0xFFFFEC00  }
0x4d: {  	[spmem:s2] =	stream.indirect.scatter.add.f32 [tilespmem:s12], [sflag:$0x1], $0x1, s31, s11, $0xb8;
	[tilespmem:$0x1980] =	vst v63  }
0x4e: {  	_ =	swait.ge [sflag:s10], $0x80  }
0x4f: {  	s18 =	simm.s32 $0x200;
	[sflag:s10] =	ssyncset.done $0x0  }
.LBB2_3:
0x50: {  	s19 =	sshra.s32 s18, $0x2;
	[sflag:s10] =	ssyncadd.s32 $0xFFFFFF80;
	p1 =	sne.s32 s18, $0x4E00  }
0x51: {  	[spmem:s2] =	stream.indirect.scatter.add.f32 [tilespmem:s12], [sflag:$0x1], $0x1, s19, s11, $0xb8;
	[tilespmem:$0x1980] =	vst v63  }
.Ltmp0:
0x52: {  	_ = 	snop;
	(pc) =	sbr.rel @p1 .LBB2_3-.Ltmp0, $4  }
0x53: {  	_ = 	snop  }
0x54: {  	s18 =	sadd.s32 $0x200, s18  }
0x55: {  	_ =	swait.ge [sflag:s10], $0x80  }
0x56: {  	[sflag:s10] =	ssyncset.done $0x0  }
0x57: {  	p1 =	slt.u32 @!p0 s17, $0x2  }
0x58: {  	p1 =	por p0, !p1  }
.Ltmp1:
0x59: {  	_ = 	snop;
	(pc) =	sbr.rel @!p1 .LBB2_2-.Ltmp1, $2  }
0x5a: {  	_ =	sdelay $0x2  }
0x5b: {  	s17 =	sadd.s32 $0x1, s17;
	[sflag:s10] =	ssyncadd.s32 $0xFFFFFF80  }
0x5c: {  	s3 =	sadd.s32 $0x1, s3  }
0x5d: {  	p1 =	sne.s32 s3, s8  }
.Ltmp2:
0x5e: {  	[bflag:$0x0] =	sbarrier.arrive $0xFFFF;
	(pc) =	sbr.rel @p1 .LBB2_1-.Ltmp2, $4  }
0x5f: {  	[hbm:s7@s15], [sflag:s13] =	dma.strided [spmem:s14@s16], $0x50, s10, $0x10   }
0x60: {  	_ =	swait.ge [sflag:s10], $0x50  }
0x61: {  	[sflag:s10] =	ssyncset.done $0x0  }
0x62: {  	[sflag:s10] =	ssyncadd.s32 $0xFFFFFFB0  }
0x63: {  	_ =	sfence.sel $0x180000  }
0x64: {  	[bflag:$0x0] =	sbarrier.arrive $0xFFFF  }
0x65: {  	p0 =	sne.s32 s1, $0x0;
	_ =	strace $0x90000047  }
0x66: {  	s0 =	sadd.s32 @!p0 $0x100000, s0;
	[bflag:$0x2] =	sbarrier.arrive $0xFFFF  }
0x67: {  	[sflag:s0] =	ssyncadd.tile.s32 @!p0 $0x1;
	_ =	shalt  }
.Lfunc_end2:
_tile_overlayer_lowered:
.L_overlay_start_2:
0x68: {  	(tag) =	ssettag $0x2  }
0x69: {  	s0 =	rddreg [dreg:$0x0];
	s2 =	stileid.u32  }
0x6a: {  	s1 =	rddreg [dreg:$0x1];
	p0 =	sne.s32 s2, $0x0  }
0x6b: {  	s3 =	rddreg [dreg:$0x2];
	[bflag:$0x3] =	sbarrier.arrive $0xFFFF;
	s2 =	simm.s32 @!p0 $0x1C01  }
0x6c: {  	[timem:s3], [sflag:s2] =	dma.local @!p0 [hbm:s0], s1  }
0x6d: {  	s0 =	simm.s32 @!p0 $0x1  }
0x6e: {  	_ =	swait.ge @!p0 [sflag:s0], s1  }
0x6f: {  	s1 =	ssub.s32 @!p0 $0x0, s1;
	[sflag:s0] =	ssyncset.done @!p0 $0x0  }
0x70: {  	[sflag:s0] =	ssyncadd.s32 @!p0 s1  }
0x71: {  	[bflag:$0x3] =	sbarrier.arrive $0xFFFF  }
0x72: {  	_ =	shalt  }

// kernel: kernel.9.cloned.1.call-start
scs
__scs_entry_jumppad:
0x0: {  	(pc) =	sbr.rel $0x88, $3  }
0x1: {  	(tag) =	ssettag $0x0;
	lr =	simm.s32 $0x1  }
0x2: {  	[smem:$0x3F9D] =	sst lr;
	_ =	strace $0xD0000000  }
0x3: {  	_ = 	snop  }
0x4: {  	_ = 	snop  }
0x5: {  	_ = 	snop  }
0x6: {  	_ = 	snop  }
0x7: {  	_ = 	snop  }
__scs_overlays_trampoline_lowered:
0x8: {  	[smem:$0x3FAC] =	sst s0  }
0x9: {  	[smem:$0x3FAD] =	sst s1  }
0xa: {  	[smem:$0x3FAE] =	sst s2  }
0xb: {  	[smem:$0x3FAF] =	sst s3  }
0xc: {  	[smem:$0x3FB0] =	sst s4  }
0xd: {  	[smem:$0x3FB1] =	sst s5  }
0xe: {  	[smem:$0x3FB2] =	sst s6  }
0xf: {  	[smem:$0x3FB3] =	sst s7  }
0x10: {  	[smem:$0x3FB4] =	sst s8  }
0x11: {  	[smem:$0x3FB5] =	sst s9;
	s0 =	simm.s32 @!p0 $0x0  }
0x12: {  	s1 =	sld [smem:$0x3F9B];
	s0 =	simm.s32 @p0 $0x1  }
0x13: {  	[smem:$0x3FB6] =	sst s0;
	s0 =	simm.s32 @!p1 $0x0  }
0x14: {  	s2 =	sld [smem:$0x3F9A];
	s0 =	simm.s32 @p1 $0x1  }
0x15: {  	[smem:$0x3FB7] =	sst s0;
	s0 =	simm.s32 @!p2 $0x0  }
0x16: {  	s3 =	sld [smem:$0x3FDB];
	s0 =	simm.s32 @p2 $0x1  }
0x17: {  	s4 =	simm.s32 $0x1BF5;
	[smem:$0x3FB9] =	sst s0  }
0x18: {  	s0 =	sld [smem:$0x3F9C];
	_ =	swait.ge [sflag:s4], $0x0  }
0x19: {  	s7 =	sld [smem:$0x3F9D]  }
0x1a: {  	s8 =	sadd.s32 $0xFFFFE003, lr  }
0x1b: {  	s9 =	sadd.s32 $0xFFFFFEF7, lr;
	s5 =	simm.s32 $0xFFFFFFFF;
	p2 =	slt.u32 s8, $0xFFFFF086  }
0x1c: {  	p1 =	slt.u32 s9, $0xF7A;
	s5 =	simm.s32 @!p2 $0x0  }
0x1d: {  	s5 =	simm.s32 @p1 $0x1;
	p0 =	seq.s32 s7, s2  }
0x1e: {  	s7 =	smul.u32 @!p0 $0xF7A, s2;
	p2 =	seq.s32 @!p0 s5, $0x0  }
0x1f: {  	s9 =	smul.u32 $0xF7A, s1;
	s8 =	simm.s32 @!p0 $0x1BF5;
	p2 =	por !p2, p0  }
0x20: {  	[sflag:s8] =	ssyncset.s32 @!p0 $0xFFFFF086;
	s6 =	sadd.s32 @!p0 s3, s7;
	s7 =	simm.s32 @!p0 $0x108  }
0x21: {  	s3 =	sadd.s32 s3, s9;
	s6 =	sadd.s32 @!p0 $0x88, s6;
	s7 =	simm.s32 @p2 $0x1082  }
0x22: {  	[simem:s7], [sflag:s8] =	dma.local @!p0 [hbm:s6], $0xF7A  }
0x23: {  	s9 =	sor.u32 $0xD0000000, s2;
	s6 =	simm.s32 $0x108;
	_ =	swait.ge @!p0 [sflag:s8], $0x0  }
0x24: {  	s3 =	sadd.s32 $0x88, s3;
	s6 =	simm.s32 @!p1 $0x1082;
	[sflag:s4] =	ssyncset.s32 $0xFFFFF086  }
0x25: {  	[simem:s6], [sflag:s4] =	dma.local [hbm:s3], $0xF7A  }
0x26: {  	[smem:$0x3F9D] =	sst s1;
	(tag) =	ssettag s2;
	_ =	strace s9  }
0x27: {  	s1 =	sld [smem:$0x3FAD]  }
0x28: {  	s2 =	sld [smem:$0x3FAE]  }
0x29: {  	s4 =	sld [smem:$0x3FB0]  }
0x2a: {  	p0 =	seq.s32 s5, $0x0;
	s5 =	sld [smem:$0x3FB1]  }
0x2b: {  	s6 =	sld [smem:$0x3FB2]  }
0x2c: {  	s7 =	sld [smem:$0x3FB3]  }
0x2d: {  	s3 =	simm.s32 $0x108;
	s8 =	sld [smem:$0x3FB4]  }
0x2e: {  	s3 =	simm.s32 @!p0 $0x1082;
	s9 =	sld [smem:$0x3FB5]  }
0x2f: {  	lr =	sadd.s32 s0, s3;
	s0 =	sld [smem:$0x3FAC]  }
0x30: {  	s3 =	sld [smem:$0x3FAF]  }
0x31: {  	[smem:$0x3FB8] =	sst s10  }
0x32: {  	s10 =	sld [smem:$0x3FB6];
	_ =	sdelay $0x3  }
0x33: {  	p0 =	seq.s32 s10, $0x1;
	s10 =	sld [smem:$0x3FB8];
	_ =	sdelay $0x3  }
0x34: {  	[smem:$0x3FB8] =	sst s10  }
0x35: {  	s10 =	sld [smem:$0x3FB7];
	_ =	sdelay $0x3  }
0x36: {  	p1 =	seq.s32 s10, $0x1;
	s10 =	sld [smem:$0x3FB8];
	_ =	sdelay $0x3  }
0x37: {  	[smem:$0x3FB8] =	sst s10  }
0x38: {  	s10 =	sld [smem:$0x3FB9]  }
0x39: {  	_ = 	snop;
	(pc) =	sbr.ind lr, $3  }
0x3a: {  	_ = 	snop  }
0x3b: {  	_ = 	snop  }
0x3c: {  	p2 =	seq.s32 s10, $0x1;
	s10 =	sld [smem:$0x3FB8]  }
0x3d: {  	_ =	shalt  }
0x3e: {  	_ =	shalt  }
0x3f: {  	_ =	shalt  }
0x40: {  	_ =	shalt  }
0x41: {  	_ =	shalt  }
0x42: {  	_ =	shalt  }
0x43: {  	_ =	shalt  }
0x44: {  	_ =	shalt  }
0x45: {  	_ =	shalt  }
0x46: {  	_ =	shalt  }
0x47: {  	_ =	shalt  }
0x48: {  	_ =	shalt  }
0x49: {  	_ =	shalt  }
0x4a: {  	_ =	shalt  }
0x4b: {  	_ =	shalt  }
0x4c: {  	_ =	shalt  }
0x4d: {  	_ =	shalt  }
0x4e: {  	_ =	shalt  }
0x4f: {  	_ =	shalt  }
0x50: {  	_ =	shalt  }
0x51: {  	_ =	shalt  }
0x52: {  	_ =	shalt  }
0x53: {  	_ =	shalt  }
0x54: {  	_ =	shalt  }
0x55: {  	_ =	shalt  }
0x56: {  	_ =	shalt  }
0x57: {  	_ =	shalt  }
0x58: {  	_ =	shalt  }
0x59: {  	_ =	shalt  }
0x5a: {  	_ =	shalt  }
0x5b: {  	_ =	shalt  }
0x5c: {  	_ =	shalt  }
0x5d: {  	_ =	shalt  }
0x5e: {  	_ =	shalt  }
0x5f: {  	_ =	shalt  }
0x60: {  	_ =	shalt  }
0x61: {  	_ =	shalt  }
0x62: {  	_ =	shalt  }
0x63: {  	_ =	shalt  }
0x64: {  	_ =	shalt  }
0x65: {  	_ =	shalt  }
0x66: {  	_ =	shalt  }
0x67: {  	_ =	shalt  }
0x68: {  	_ =	shalt  }
0x69: {  	_ =	shalt  }
0x6a: {  	_ =	shalt  }
0x6b: {  	_ =	shalt  }
0x6c: {  	_ =	shalt  }
0x6d: {  	_ =	shalt  }
0x6e: {  	_ =	shalt  }
0x6f: {  	_ =	shalt  }
0x70: {  	_ =	shalt  }
0x71: {  	_ =	shalt  }
0x72: {  	_ =	shalt  }
0x73: {  	_ =	shalt  }
0x74: {  	_ =	shalt  }
0x75: {  	_ =	shalt  }
0x76: {  	_ =	shalt  }
0x77: {  	_ =	shalt  }
0x78: {  	_ =	shalt  }
0x79: {  	_ =	shalt  }
0x7a: {  	_ =	shalt  }
0x7b: {  	_ =	shalt  }
0x7c: {  	_ =	shalt  }
0x7d: {  	_ =	shalt  }
0x7e: {  	_ =	shalt  }
0x7f: {  	_ =	shalt  }
0x80: {  	_ =	shalt  }
0x81: {  	_ =	shalt  }
0x82: {  	_ =	shalt  }
0x83: {  	_ =	shalt  }
0x84: {  	_ =	shalt  }
0x85: {  	_ =	shalt  }
0x86: {  	_ =	shalt  }
0x87: {  	_ =	shalt  }
.Lfunc_end0:
.L_simem_size_0:
called_computation.1_lowered:
.L_overlay_start_0:
0x88: {  	s2 =	sld [smem:$0x3FD9]  }
0x89: {  	s3 =	sld [smem:$0x3FFE];
	_ =	sdelay $0x1  }
0x8a: {  	s1 =	srdreg.scid  }
0x8b: {  	s0 =	sand.u32 $0x1, s1  }
0x8c: {  	s17 =	sshll.u32 s0, $0xA;
	s2 =	sadd.s32 s3, s2  }
0x8d: {  	s2 =	sadd.s32 s2, s17  }
0x8e: {  	[smem:$0x3FC4] =	sst s2  }
0x8f: {  	_ = 	snop  }
0x90: {  	s2 =	sld [smem:$0x3FD0];
	(tm) =	ssettm $0x1  }
0x91: {  	s18 =	sld [smem:$0x3FFB];
	_ =	sdelay $0x3  }
0x92: {  	_ =	strace s18  }
0x93: {  	s3 =	sld [smem:$0x3FFC];
	_ =	sdelay $0x3  }
0x94: {  	_ =	strace s3  }
0x95: {  	s3 =	sld [smem:$0x3FFD];
	_ =	sdelay $0x3  }
0x96: {  	_ =	strace s3  }
0x97: {  	_ =	strace $0x8FFFFFFF  }
0x98: {  	s19 =	sld [smem:$0x3FDB];
	_ =	sdelay $0x1  }
0x99: {  	s4 =	simm.s32 $_scs_section_size  }
0x9a: {  	s5 =	simm.s32 $_size__tile_overlayer_lowered;
	s6 =	simm.s32 $_tile_overlayer_lowered  }
0x9b: {  	s22 =	simm.s32 $0x1BFF;
	s21 =	sshll.u32 s6, $0x1;
	s3 =	sadd.s32 s4, s19  }
0x9c: {  	s7 =	simm.s32 $0x0;
	s20 =	sshll.u32 s5, $0x1;
	s5 =	sadd.s32 s21, s3  }
0x9d: {  	[timem:s7], [sflag:s22] =	dma.local [hbm:s5], s20  }
0x9e: {  	_ =	swait.ge [sflag:s22], s20  }
0x9f: {  	s4 =	ssub.s32 $0x0, s20;
	[sflag:s22] =	ssyncset.done $0x0  }
0xa0: {  	[sflag:s22] =	ssyncadd.s32 s4;
	_ =	sdelay $0x1  }
0xa1: {  	s23 =	simm.s32 $0x1B8B  }
0xa2: {  	_ =	swait.ge [sflag:s23], $0x1  }
0xa3: {  	[sflag:s23] =	ssyncset.done $0x0  }
0xa4: {  	s25 =	simm.s32 $0x1B8E;
	s24 =	sld [smem:$0x3FFE];
	[sflag:s23] =	ssyncadd.s32 $0xFFFFFFFF  }
0xa5: {  	s26 =	simm.s32 $execute0_lowered;
	[smem:$0x3FD2] =	sst s25  }
0xa6: {  	s5 =	sshll.u32 s26, $0x1;
	_ =	strace $0x80000049;
	[dreg:$0x1] =	wrdreg $0xFFFFFFFF  }
0xa7: {  	s28 =	simm.s32 $_size_execute0_lowered;
	s3 =	sadd.s32 s3, s5;
	[dreg:$0x0] =	wrdreg $0x0  }
0xa8: {  	s5 =	sshll.u32 s28, $0x1;
	[dreg:$0x2] =	wrdreg s3  }
0xa9: {  	[dreg:$0x3] =	wrdreg s5  }
0xaa: {  	[dreg:$0x4] =	wrdreg $0xC0  }
0xab: {  	_ =	task [dreg:s7], $0x5FFFF  }
0xac: {  	[dreg:$0x1] =	wrdreg $0xFFFFFFFF  }
0xad: {  	[dreg:$0x0] =	wrdreg $0x60  }
0xae: {  	[dreg:$0x2] =	wrdreg s2  }
0xaf: {  	[dreg:$0x3] =	wrdreg s24  }
0xb0: {  	[dreg:$0x4] =	wrdreg $0xA8000  }
0xb1: {  	[dreg:$0x5] =	wrdreg $0x9  }
0xb2: {  	_ =	task.clear_ibuf [dreg:s7], $0x6FFFF;
	_ =	strace $0x90000049  }
0xb3: {  	s29 =	simm.s32 $0x9;
	_ =	strace $0x8000004B  }
0xb4: {  	_ =	swait.ge [sflag:s29], $0x1  }
0xb5: {  	[sflag:s29] =	ssyncadd.s32 $0xFFFFFFFF  }
0xb6: {  	_ =	strace $0x9000004B  }
0xb7: {  	_ =	sfence  }
0xb8: {  	s30 =	sld [smem:$0x0];
	_ =	sdelay $0x2  }
0xb9: {  	s31 =	sshll.u32 s1, $0xD;
	s1 =	sshrl.u32 s1, $0x2  }
0xba: {  	s3 =	sand.u32 $0x4000, s31;
	s1 =	sadd.s32 s1, s30  }
0xbb: {  	s0 =	sor.u32 s3, s0;
	s1 =	sshll.u32 s1, $0x11  }
0xbc: {  	s0 =	sor.u32 s1, s0  }
0xbd: {  	s0 =	sadd.s32 $0x8F2B, s0  }
0xbe: {  	[sflag:s0] =	ssyncadd.remote.s32 $0x1  }
0xbf: {  	_ =	sfence.sel $0xFFFF  }
0xc0: {  	[dreg:$0x0] =	wrdreg $0xFFFFFFFF;
	(pc) =	sbr.abs _section_cstart, $3  }
0xc1: {  	[dreg:$0x1] =	wrdreg $0xFFFFFFFF  }
0xc2: {  	_ =	task.clear_ibuf [dreg:s7], $0x2FFFF;
	_ =	strace $0x9FFFFFFF  }
0xc3: {  	(tm) =	ssettm $0x7FFFFFFF  }
tec
execute0_lowered:
.L_overlay_start_1:
0x0: {  	(tag) =	ssettag $0x1  }
0x1: {  	s1 =	rddreg [dreg:$0x0]  }
0x2: {  	s0 =	rddreg [dreg:$0x1]  }
0x3: {  	s2 =	rddreg [dreg:$0x2];
	s4 =	simm.s32 $0x0  }
0x4: {  	s3 =	srdreg.scid;
	s12 =	stileid.u32;
	s28 =	simm.s32 $0x2700  }
0x5: {  	s29 =	simm.s32 $0x2780;
	s30 =	simm.s32 $0x0;
	s8 =	smul.u32 $0x78, s12  }
0x6: {  	[smem:$0x7FF] =	sst s4;
	s3 =	sand.u32 $0x1, s3;
	s10 =	smul.u32 $0x28, s12  }
0x7: {  	s5 =	sadd.s32 $0x1400, s0;
	s6 =	sadd.s32 $0xB400, s0;
	s18 =	smul.u32 $0x50000, s12  }
0x8: {  	s0 =	sadd.s32 $0x15400, s0;
	s13 =	smul.u32 $0x14000, s12;
	_ =	strace $0x8000004A  }
0x9: {  	s7 =	ssub.s32 $0x2, s3;
	p0 =	seq.s32 s3, $0x0;
	s14 =	smul.u32 $0x140000, s3  }
0xa: {  	s9 =	sshrl.u32 s7, $0x1;
	s19 =	sshrl.u32 s18, $0x2;
	s15 =	sadd.s32 $0x8000, s13  }
0xb: {  	s16 =	sadd.s32 $0x4000, s13;
	s17 =	sadd.s32 $0x10000, s13;
	s22 =	sadd.s32 $0xC000, s13  }
0xc: {  	s11 =	ssub.s32 s7, s9;
	s7 =	sadd.s32 $0x780, s10;
	s9 =	sadd.s32 s15, s2  }
0xd: {  	s20 =	sadd.s32 s13, s14;
	s21 =	sadd.s32 s14, s16;
	s10 =	sadd.s32 s17, s2  }
0xe: {  	s24 =	sadd.s32 s16, s2;
	s15 =	sadd.s32 s14, s15;
	s25 =	sadd.s32 s14, s22  }
0xf: {  	s14 =	sadd.s32 s14, s17;
	s7 =	smov.u32 @p0 s8;
	s8 =	sadd.s32 s19, s2  }
0x10: {  	s18 =	sshrl.u32 s20, $0x3;
	s12 =	sshrl.u32 s21, $0x3;
	s23 =	sshrl.u32 s15, $0x3  }
0x11: {  	s15 =	sshrl.u32 s25, $0x3;
	s17 =	sshrl.u32 s14, $0x3;
	s25 =	sadd.s32 s22, s2  }
0x12: {  	s16 =	smax.u32 s11, $0x1;
	s19 =	simm.s32 $0x1400;
	s20 =	simm.s32 $0x80  }
0x13: {  	s21 =	simm.s32 $0x6800;
	s22 =	simm.s32 $0x1;
	p0 =	sne.s32 s3, $0x0  }
0x14: {  	s24 =	sshrl.u32 s24, $0x3;
	s18 =	sadd.s32 s0, s18;
	s12 =	sadd.s32 s0, s12  }
0x15: {  	s26 =	sadd.s32 s0, s23;
	s31 =	sadd.s32 s0, s15;
	[dreg:$0x4] =	wrdreg s18  }
0x16: {  	s15 =	sadd.s32 s0, s17;
	s17 =	simm.s32 $0x2800;
	[dreg:$0x5] =	wrdreg s12  }
0x17: {  	s23 =	simm.s32 $0x2;
	s25 =	sshrl.u32 s25, $0x3;
	[dreg:$0x6] =	wrdreg s26  }
0x18: {  	v0 =	vimm.f32 $0.0e+00;
	[dreg:$0x7] =	wrdreg s31;
	s18 =	simm.s32 $0x3;
	s26 =	simm.s32 $0x1380  }
.LBB2_1:
0x19: {  	s0 =	sand.u32 $0x1FE00, s4  }
0x1a: {  	s3 =	sand.u32 $0x70, s4;
	s11 =	sshrl.u32 s0, $0x2  }
0x1b: {  	s0 =	simm.s32 $0x40;
	s11 =	sor.u32 s3, s11;
	s3 =	simm.s32 $0x0  }
.LBB2_2:
0x1c: {  	p1 =	sne.s32 s0, $0x1FFC0  }
0x1d: {  	[tilespmem:s11+$0x2800] =	vst v0;
	s3 =	sadd.s32 $0x10, s3;
	s11 =	smov.u32 s0;
	s0 =	sadd.s32 $0x40, s0  }
.Ltmp0:
0x1e: {  	(pc) =	sbr.rel @p1 .LBB2_2-.Ltmp0, $4  }
0x1f: {  	_ = 	snop  }
0x20: {  	s11 =	sand.u32 $0x1FE00, s11  }
0x21: {  	s31 =	sand.u32 $0x70, s3;
	s11 =	sshrl.u32 s11, $0x2  }
0x22: {  	s11 =	sor.u32 s31, s11  }
0x23: {  	[tilespmem:s11+$0x2800] =	vst v0  }
0x24: {  	[spmem:s8] =	stream.linear.scatter [tilespmem:s17], [sflag:$0x3], $0x8000, $0x38;
	[tilespmem:$0x1E800] =	vst v63  }
0x25: {  	_ =	swait.ge [sflag:s18], $0x8000  }
0x26: {  	[sflag:s18] =	ssyncset.done $0x0  }
0x27: {  	[sflag:s18] =	ssyncadd.s32 $0xFFFF8000  }
0x28: {  	[spmem:s9] =	stream.linear.scatter [tilespmem:s17], [sflag:$0x3], $0x8000, $0x38;
	[tilespmem:$0x1E800] =	vst v63  }
0x29: {  	_ =	swait.ge [sflag:s18], $0x8000  }
0x2a: {  	[sflag:s18] =	ssyncset.done $0x0  }
0x2b: {  	[sflag:s18] =	ssyncadd.s32 $0xFFFF8000  }
0x2c: {  	[spmem:s10] =	stream.linear.scatter [tilespmem:s17], [sflag:$0x3], $0x4000, $0x38;
	[tilespmem:$0x1E800] =	vst v63  }
0x2d: {  	_ =	swait.ge [sflag:s18], $0x4000  }
0x2e: {  	[sflag:s18] =	ssyncset.done $0x0  }
0x2f: {  	[sflag:s18] =	ssyncadd.s32 $0xFFFFC000  }
0x30: {  	s31 =	simm.s32 $0x0;
	s0 =	simm.s32 $0x0;
	[bflag:$0x0] =	sbarrier.arrive $0xFFFF  }
.LBB2_4:
0x31: {  	s3 =	smul.u32 $0x28, s0;
	_ =	sdelay $0x1  }
0x32: {  	s3 =	sadd.s32 s7, s3  }
0x33: {  	s3 =	sshll.u32 s3, $0x4  }
0x34: {  	s11 =	sadd.s32 s5, s3  }
0x35: {  	[tilespmem:s31], [sflag:$0x3] =	stream.linear.gather [hbm4b:s11+s31], $0x1400, $0x38;
	[tilespmem:$0x1E800] =	vst v63  }
0x36: {  	_ =	swait.ge [sflag:s18], $0x1400  }
0x37: {  	[sflag:s18] =	ssyncset.done $0x0  }
0x38: {  	s3 =	sadd.s32 s6, s3;
	[sflag:s18] =	ssyncadd.s32 $0xFFFFEC00  }
0x39: {  	[tilespmem:s19], [sflag:$0x3] =	stream.linear.gather [hbm4b:s3+s31], $0x1400, $0x38;
	[tilespmem:$0x1E800] =	vst v63  }
0x3a: {  	_ =	swait.ge [sflag:s18], $0x1400  }
0x3b: {  	[sflag:s18] =	ssyncset.done $0x0  }
0x3c: {  	[sflag:s18] =	ssyncadd.s32 $0xFFFFEC00  }
0x3d: {  	[tilespmem:s17], [sflag:$0x1] =	stream.indirect.gather [hbm4b:s1+s20], $0x80, s31, s20, $0xb8;
	[tilespmem:$0x1E800] =	vst v63  }
0x3e: {  	s11 =	simm.s32 $0x80  }
0x3f: {  	[tilespmem:s21], [sflag:$0x2] =	stream.indirect.gather [hbm4b:s1+s20], $0x80, s11, s20, $0xb8;
	[tilespmem:$0x1E800] =	vst v63  }
0x40: {  	_ =	swait.ge [sflag:s22], $0x4000  }
0x41: {  	[sflag:s22] =	ssyncset.done $0x0  }
0x42: {  	s12 =	simm.s32 $0x1400;
	[sflag:s22] =	ssyncadd.s32 $0xFFFFC000  }
0x43: {  	[spmem:s2] =	stream.indirect.scatter.add.f32 [tilespmem:s17], [sflag:$0x3], $0x80, s12, s20, $0xb8;
	[tilespmem:$0x1E800] =	vst v63  }
0x44: {  	_ =	swait.ge [sflag:s18], $0x4000  }
0x45: {  	[sflag:s18] =	ssyncset.done $0x0  }
0x46: {  	s13 =	simm.s32 $0x100;
	[sflag:s18] =	ssyncadd.s32 $0xFFFFC000  }
0x47: {  	[tilespmem:s17], [sflag:$0x1] =	stream.indirect.gather [hbm4b:s1+s20], $0x80, s13, s20, $0xb8;
	[tilespmem:$0x1E800] =	vst v63  }
0x48: {  	_ =	swait.ge [sflag:s23], $0x4000  }
0x49: {  	[sflag:s23] =	ssyncset.done $0x0  }
0x4a: {  	s14 =	simm.s32 $0x1480;
	[sflag:s23] =	ssyncadd.s32 $0xFFFFC000  }
0x4b: {  	[spmem:s2] =	stream.indirect.scatter.add.f32 [tilespmem:s21], [sflag:$0x3], $0x80, s14, s20, $0xb8;
	[tilespmem:$0x1E800] =	vst v63  }
0x4c: {  	_ =	swait.ge [sflag:s18], $0x4000  }
0x4d: {  	s3 =	simm.s32 $0x100;
	s11 =	simm.s32 $0x800;
	[sflag:s18] =	ssyncset.done $0x0  }
.LBB2_5:
0x4e: {  	s12 =	sadd.s32 $0x80, s3  }
0x4f: {  	[sflag:s18] =	ssyncadd.s32 $0xFFFFC000;
	s13 =	smov.u32 s11;
	s14 =	sadd.s32 $0x400, s11  }
0x50: {  	[tilespmem:s21], [sflag:$0x2] =	stream.indirect.gather [hbm4b:s1+s20], $0x80, s12, s20, $0xb8;
	[tilespmem:$0x1E800] =	vst v63  }
0x51: {  	p1 =	sne.s32 s11, $0x4800;
	_ =	swait.ge [sflag:s22], $0x4000  }
0x52: {  	[sflag:s22] =	ssyncset.done $0x0  }
0x53: {  	s11 =	sadd.s32 $0x1400, s3;
	[sflag:s22] =	ssyncadd.s32 $0xFFFFC000  }
0x54: {  	[spmem:s2] =	stream.indirect.scatter.add.f32 [tilespmem:s17], [sflag:$0x3], $0x80, s11, s20, $0xb8;
	[tilespmem:$0x1E800] =	vst v63  }
0x55: {  	_ =	swait.ge [sflag:s18], $0x4000  }
0x56: {  	[sflag:s18] =	ssyncset.done $0x0  }
0x57: {  	s11 =	sadd.s32 $0x100, s3;
	[sflag:s18] =	ssyncadd.s32 $0xFFFFC000  }
0x58: {  	[tilespmem:s17], [sflag:$0x1] =	stream.indirect.gather [hbm4b:s1+s20], $0x80, s11, s20, $0xb8;
	[tilespmem:$0x1E800] =	vst v63  }
0x59: {  	_ =	swait.ge [sflag:s23], $0x4000  }
.Ltmp1:
0x5a: {  	[sflag:s23] =	ssyncset.done $0x0;
	(pc) =	sbr.rel @p1 .LBB2_5-.Ltmp1, $4  }
0x5b: {  	s3 =	sadd.s32 $0x1480, s3;
	[sflag:s23] =	ssyncadd.s32 $0xFFFFC000  }
0x5c: {  	[spmem:s2] =	stream.indirect.scatter.add.f32 [tilespmem:s21], [sflag:$0x3], $0x80, s3, s20, $0xb8;
	[tilespmem:$0x1E800] =	vst v63  }
0x5d: {  	_ =	swait.ge [sflag:s18], $0x4000  }
0x5e: {  	s11 =	smov.u32 s14;
	s3 =	sshra.s32 s13, $0x2;
	[sflag:s18] =	ssyncset.done $0x0  }
0x5f: {  	s11 =	sadd.s32 $0x80, s3;
	[sflag:s18] =	ssyncadd.s32 $0xFFFFC000  }
0x60: {  	[tilespmem:s21], [sflag:$0x2] =	stream.indirect.gather [hbm4b:s1+s20], $0x80, s11, s20, $0xb8;
	[tilespmem:$0x1E800] =	vst v63  }
0x61: {  	_ =	swait.ge [sflag:s22], $0x4000  }
0x62: {  	[sflag:s22] =	ssyncset.done $0x0  }
0x63: {  	s12 =	sadd.s32 $0x1400, s3;
	[sflag:s22] =	ssyncadd.s32 $0xFFFFC000  }
0x64: {  	[spmem:s2] =	stream.indirect.scatter.add.f32 [tilespmem:s17], [sflag:$0x3], $0x80, s12, s20, $0xb8;
	[tilespmem:$0x1E800] =	vst v63  }
0x65: {  	_ =	swait.ge [sflag:s18], $0x4000  }
0x66: {  	[sflag:s18] =	ssyncset.done $0x0  }
0x67: {  	s13 =	sadd.s32 $0x100, s3;
	[sflag:s18] =	ssyncadd.s32 $0xFFFFC000  }
0x68: {  	[tilespmem:s17], [sflag:$0x1] =	stream.indirect.gather [hbm4b:s1+s20], $0x80, s13, s20, $0xb8;
	[tilespmem:$0x1E800] =	vst v63  }
0x69: {  	_ =	swait.ge [sflag:s23], $0x4000  }
0x6a: {  	[sflag:s23] =	ssyncset.done $0x0  }
0x6b: {  	s14 =	sadd.s32 $0x1480, s3;
	[sflag:s23] =	ssyncadd.s32 $0xFFFFC000  }
0x6c: {  	[spmem:s2] =	stream.indirect.scatter.add.f32 [tilespmem:s21], [sflag:$0x3], $0x80, s14, s20, $0xb8;
	[tilespmem:$0x1E800] =	vst v63  }
0x6d: {  	_ =	swait.ge [sflag:s18], $0x4000  }
0x6e: {  	[sflag:s18] =	ssyncset.done $0x0  }
0x6f: {  	[sflag:s18] =	ssyncadd.s32 $0xFFFFC000  }
0x70: {  	[tilespmem:s21], [sflag:$0x2] =	stream.indirect.gather [hbm4b:s1+s20], $0x80, s26, s20, $0xb8;
	[tilespmem:$0x1E800] =	vst v63  }
0x71: {  	_ =	swait.ge [sflag:s22], $0x4000  }
0x72: {  	[sflag:s22] =	ssyncset.done $0x0  }
0x73: {  	[sflag:s22] =	ssyncadd.s32 $0xFFFFC000  }
0x74: {  	[spmem:s2] =	stream.indirect.scatter.add.f32 [tilespmem:s17], [sflag:$0x3], $0x80, s28, s20, $0xb8;
	[tilespmem:$0x1E800] =	vst v63  }
0x75: {  	_ =	swait.ge [sflag:s18], $0x4000  }
0x76: {  	[sflag:s18] =	ssyncset.done $0x0  }
0x77: {  	[sflag:s18] =	ssyncadd.s32 $0xFFFFC000  }
0x78: {  	[tilespmem:s17], [sflag:$0x1] =	stream.indirect.gather [hbm4b:s1+s20], $0x80, s4, s20, $0xb8;
	[tilespmem:$0x1E800] =	vst v63  }
0x79: {  	_ =	swait.ge [sflag:s23], $0x4000  }
0x7a: {  	[sflag:s23] =	ssyncset.done $0x0  }
0x7b: {  	p1 =	slt.u32 @!p0 s0, $0x2;
	[sflag:s23] =	ssyncadd.s32 $0xFFFFC000  }
0x7c: {  	[spmem:s2] =	stream.indirect.scatter.add.f32 [tilespmem:s21], [sflag:$0x3], $0x80, s29, s20, $0xb8;
	[tilespmem:$0x1E800] =	vst v63  }
0x7d: {  	p1 =	por p0, !p1;
	_ =	swait.ge [sflag:s18], $0x4000  }
.Ltmp2:
0x7e: {  	[sflag:s18] =	ssyncset.done $0x0;
	(pc) =	sbr.rel @!p1 .LBB2_4-.Ltmp2, $4  }
0x7f: {  	[sflag:s18] =	ssyncadd.s32 $0xFFFFC000  }
0x80: {  	_ =	swait.ge [sflag:s22], $0x4000  }
0x81: {  	[sflag:s22] =	ssyncset.done $0x0  }
0x82: {  	s0 =	sadd.s32 $0x1, s0;
	[sflag:s22] =	ssyncadd.s32 $0xFFFFC000  }
0x83: {  	s0 =	stileid.u32  }
0x84: {  	[bflag:$0x0] =	sbarrier.arrive $0xFFFF;
	s0 =	sshll.u32 s0, $0x6  }
0x85: {  	s3 =	sshrl.u32 s8, $0x3;
	s11 =	rddreg [dreg:$0x4];
	s0 =	sor.u32 $0x1C03, s0  }
0x86: {  	[hbm:s11], [sflag:s0] =	dma.local [spmem:s3], $0x800  }
0x87: {  	_ =	swait.ge [sflag:s18], $0x800  }
0x88: {  	[sflag:s18] =	ssyncset.done $0x0  }
0x89: {  	s11 =	rddreg [dreg:$0x5];
	[sflag:s18] =	ssyncadd.s32 $0xFFFFF800  }
0x8a: {  	[hbm:s11], [sflag:s0] =	dma.local [spmem:s24], $0x800  }
0x8b: {  	_ =	swait.ge [sflag:s18], $0x800  }
0x8c: {  	[sflag:s18] =	ssyncset.done $0x0  }
0x8d: {  	s12 =	sshrl.u32 s9, $0x3;
	s13 =	rddreg [dreg:$0x6];
	[sflag:s18] =	ssyncadd.s32 $0xFFFFF800  }
0x8e: {  	[hbm:s13], [sflag:s0] =	dma.local [spmem:s12], $0x800  }
0x8f: {  	_ =	swait.ge [sflag:s18], $0x800  }
0x90: {  	[sflag:s18] =	ssyncset.done $0x0  }
0x91: {  	s14 =	rddreg [dreg:$0x7];
	[sflag:s18] =	ssyncadd.s32 $0xFFFFF800  }
0x92: {  	[hbm:s14], [sflag:s0] =	dma.local [spmem:s25], $0x800  }
0x93: {  	s30 =	sadd.s32 $0x1, s30;
	_ =	swait.ge [sflag:s18], $0x800  }
0x94: {  	p1 =	sne.s32 s30, s16;
	[sflag:s18] =	ssyncset.done $0x0  }
.Ltmp3:
0x95: {  	s31 =	sshrl.u32 s10, $0x3;
	[sflag:s18] =	ssyncadd.s32 $0xFFFFF800;
	(pc) =	sbr.rel @p1 .LBB2_1-.Ltmp3, $4  }
0x96: {  	[hbm:s15], [sflag:s0] =	dma.local [spmem:s31], $0x800  }
0x97: {  	_ =	swait.ge [sflag:s18], $0x800  }
0x98: {  	[sflag:s18] =	ssyncset.done $0x0  }
0x99: {  	[sflag:s18] =	ssyncadd.s32 $0xFFFFF800  }
0x9a: {  	_ =	sfence.sel $0x180000  }
0x9b: {  	[bflag:$0x0] =	sbarrier.arrive $0xFFFF  }
0x9c: {  	_ =	strace $0x9000004A  }
0x9d: {  	s0 =	stileid.u32;
	[bflag:$0x2] =	sbarrier.arrive $0xFFFF  }
0x9e: {  	p0 =	sne.s32 s0, $0x0;
	s0 =	rddreg [dreg:$0x3]  }
0x9f: {  	s0 =	sadd.s32 @!p0 $0x100000, s0  }
0xa0: {  	[sflag:s0] =	ssyncadd.tile.s32 @!p0 $0x1;
	_ =	shalt  }
.Lfunc_end2:
_tile_overlayer_lowered:
.L_overlay_start_2:
0xa1: {  	(tag) =	ssettag $0x2  }
0xa2: {  	s0 =	rddreg [dreg:$0x0];
	s2 =	stileid.u32  }
0xa3: {  	s1 =	rddreg [dreg:$0x1];
	p0 =	sne.s32 s2, $0x0  }
0xa4: {  	s3 =	rddreg [dreg:$0x2];
	[bflag:$0x3] =	sbarrier.arrive $0xFFFF;
	s2 =	simm.s32 @!p0 $0x1C03  }
0xa5: {  	[timem:s3], [sflag:s2] =	dma.local @!p0 [hbm:s0], s1  }
0xa6: {  	s0 =	simm.s32 @!p0 $0x3  }
0xa7: {  	_ =	swait.ge @!p0 [sflag:s0], s1  }
0xa8: {  	s1 =	ssub.s32 @!p0 $0x0, s1;
	[sflag:s0] =	ssyncset.done @!p0 $0x0  }
0xa9: {  	[sflag:s0] =	ssyncadd.s32 @!p0 s1  }
0xaa: {  	[bflag:$0x3] =	sbarrier.arrive $0xFFFF  }
0xab: {  	_ =	shalt  }

</sc_bundles>
